<compile_context>
chip_gen: v7x
topology: tpu7x:2x2x1
jax: 0.10.2.dev20260603
libtpu: 0.0.44.dev20260713+nightly
codegen_flags: <defaults>
</compile_context>

<pallas_src>
import functools

import jax
import jax.numpy as jnp
from jax import lax
from jax.experimental import pallas as pl
from jax.experimental.pallas import tpu as pltpu
from jax.experimental.pallas import tpu_sc as plsc

_T = 2048
_H = 1024
_E = 8
_K = 2
_DFF = 1024

_TMS = 256
_NTS = (_T * _K) // _TMS + _E
_NSLOT = _NTS * _TMS
_NW = 32
_NEG = -1e30


def _min_index(mask, idx):
    return jnp.min(jnp.where(mask, idx, 10**9), axis=1, keepdims=True)


def _route_book_body(scores_ref, bias_ref, pos_ref, w_ref, pe_ref):
    scores = scores_ref[...]
    s_choice = scores + bias_ref[...]
    iota_e = lax.broadcasted_iota(jnp.int32, (_T, _E), 1)

    left = jnp.concatenate([s_choice[:, 1:], s_choice[:, :1]], axis=1)
    right = jnp.concatenate([s_choice[:, -1:], s_choice[:, :-1]], axis=1)
    gsum = s_choice + jnp.where(iota_e % 2 == 0, left, right)

    m1 = jnp.max(gsum, axis=1, keepdims=True)
    a1 = _min_index(gsum == m1, iota_e) // 2
    gs2 = jnp.where(iota_e // 2 == a1, _NEG, gsum)
    m2 = jnp.max(gs2, axis=1, keepdims=True)
    a2 = _min_index(gs2 == m2, iota_e) // 2
    grp_ok = (iota_e // 2 == a1) | (iota_e // 2 == a2)

    masked = jnp.where(grp_ok, s_choice, _NEG)
    e_m1 = jnp.max(masked, axis=1, keepdims=True)
    e_i1 = _min_index(masked == e_m1, iota_e)
    masked2 = jnp.where(iota_e == e_i1, _NEG, masked)
    e_m2 = jnp.max(masked2, axis=1, keepdims=True)
    e_i2 = _min_index(masked2 == e_m2, iota_e)

    w1 = jnp.sum(jnp.where(iota_e == e_i1, scores, 0.0), axis=1, keepdims=True)
    w2 = jnp.sum(jnp.where(iota_e == e_i2, scores, 0.0), axis=1, keepdims=True)
    wsum = w1 + w2 + 1e-20
    w1n, w2n = w1 / wsum, w2 / wsum

    e_lo = jnp.minimum(e_i1, e_i2)
    e_hi = jnp.maximum(e_i1, e_i2)
    w_lo = jnp.where(e_i1 < e_i2, w1n, w2n)
    w_hi = jnp.where(e_i1 < e_i2, w2n, w1n)
    mask = (iota_e == e_lo) | (iota_e == e_hi)
    mask_bf = mask.astype(jnp.bfloat16)

    tr = lax.broadcasted_iota(jnp.int32, (_T, _T), 0)
    tc = lax.broadcasted_iota(jnp.int32, (_T, _T), 1)
    LT = (tc < tr).astype(jnp.bfloat16)
    prefix = lax.dot_general(LT, mask_bf, (((1,), (0,)), ((), ())),
                             preferred_element_type=jnp.float32)

    cnt = jnp.sum(mask.astype(jnp.float32), axis=0, keepdims=True).astype(jnp.int32)
    pc = ((cnt + (_TMS - 1)) // _TMS) * _TMS
    incl = pc
    for s in (1, 2, 4):
        incl = incl + jnp.concatenate(
            [jnp.zeros((1, s), jnp.int32), incl[:, :-s]], axis=1)
    excl = incl - pc

    position = prefix.astype(jnp.int32) + excl
    pos_lo = jnp.sum(jnp.where(iota_e == e_lo, position, 0), axis=1, keepdims=True)
    pos_hi = jnp.sum(jnp.where(iota_e == e_hi, position, 0), axis=1, keepdims=True)

    pos_ref[...] = jnp.concatenate([pos_lo, pos_hi], axis=1)
    w_ref[...] = jnp.concatenate([w_lo, w_hi], axis=1)
    pe_ref[...] = jnp.concatenate(
        [excl, incl, cnt, jnp.zeros((1, _E), jnp.int32)], axis=1)


def _route_book(scores, bias):
    return pl.pallas_call(
        _route_book_body,
        out_shape=[
            jax.ShapeDtypeStruct((_T, _K), jnp.int32),
            jax.ShapeDtypeStruct((_T, _K), jnp.float32),
            jax.ShapeDtypeStruct((1, 32), jnp.int32),
        ],
    )(scores, bias.reshape(1, _E))


_APW = (_T * _K) // _NW
_CH = 32


def _sc_dispatch(hs, pos_flat):
    mesh = plsc.VectorSubcoreMesh(core_axis_name="c", subcore_axis_name="s")

    @functools.partial(
        pl.kernel, mesh=mesh,
        out_type=jax.ShapeDtypeStruct((_NSLOT, _H), jnp.float32),
        scratch_types=[pltpu.VMEM((_CH,), jnp.int32),
                       pltpu.VMEM((_CH, _H), jnp.float32),
                       pltpu.SemaphoreType.DMA],
    )
    def k(hs_hbm, pos_hbm, out_hbm, idxv, rowsv, sem):
        wid = lax.axis_index("s") * 2 + lax.axis_index("c")
        ebase = wid * _APW
        tbase = (wid % 16) * _APW
        for c in range(_APW // _CH):
            pltpu.sync_copy(pos_hbm.at[pl.ds(ebase + c * _CH, _CH)], idxv)
            pltpu.sync_copy(hs_hbm.at[pl.ds(tbase + c * _CH, _CH)], rowsv)
            pltpu.async_copy(rowsv, out_hbm.at[idxv], sem).wait()

    return k(hs, pos_flat)


def _sc_combine(rows, pos_flat):
    nrows = _T * _K
    rpw = nrows // _NW
    mesh = plsc.VectorSubcoreMesh(core_axis_name="c", subcore_axis_name="s")

    @functools.partial(
        pl.kernel, mesh=mesh,
        out_type=jax.ShapeDtypeStruct((nrows, _H), jnp.float32),
        scratch_types=[pltpu.VMEM((_CH,), jnp.int32),
                       pltpu.VMEM((_CH, _H), jnp.float32),
                       pltpu.SemaphoreType.DMA],
    )
    def k(rows_hbm, pos_hbm, out_hbm, idxv, rowsv, sem):
        wid = lax.axis_index("s") * 2 + lax.axis_index("c")
        base = wid * rpw
        for c in range(rpw // _CH):
            off = base + c * _CH
            pltpu.sync_copy(pos_hbm.at[pl.ds(off, _CH)], idxv)
            pltpu.async_copy(rows_hbm.at[idxv], rowsv, sem).wait()
            pltpu.sync_copy(rowsv, out_hbm.at[pl.ds(off, _CH)])

    return k(rows, pos_flat)


def _silu_mul(gu):
    g = gu[:, :_DFF]
    u = gu[:, _DFF:]
    return (g * jax.nn.sigmoid(g)) * u


def _gmm_body(pe_ref, x_ref, wgu_ref, wd_ref, out_ref):
    i = pl.program_id(0)
    total = pe_ref[15]

    @pl.when(i * _TMS < total)
    def _():
        x = x_ref[...].astype(jnp.bfloat16)
        gu = lax.dot_general(x, wgu_ref[0], (((1,), (1,)), ((), ())),
                             preferred_element_type=jnp.float32)
        act = _silu_mul(gu).astype(jnp.bfloat16)
        out_ref[...] = lax.dot_general(act, wd_ref[0], (((1,), (1,)), ((), ())),
                                       preferred_element_type=jnp.float32)


def _expert_of(i, pe_ref):
    te = jnp.int32(0)
    for e in range(_E):
        te = te + jnp.where(i * _TMS >= pe_ref[8 + e], 1, 0).astype(jnp.int32)
    return jnp.minimum(te, _E - 1)


def _grouped_mm(pe16, x_sorted, wgu, wd):
    grid_spec = pltpu.PrefetchScalarGridSpec(
        num_scalar_prefetch=1,
        grid=(_NTS,),
        in_specs=[
            pl.BlockSpec((_TMS, _H), lambda i, pe: (i, 0)),
            pl.BlockSpec((1, 2 * _DFF, _H), lambda i, pe: (_expert_of(i, pe), 0, 0)),
            pl.BlockSpec((1, _H, _DFF), lambda i, pe: (_expert_of(i, pe), 0, 0)),
        ],
        out_specs=pl.BlockSpec((_TMS, _H), lambda i, pe: (i, 0)),
    )
    return pl.pallas_call(
        _gmm_body,
        grid_spec=grid_spec,
        out_shape=jax.ShapeDtypeStruct((_NSLOT, _H), jnp.float32),
    )(pe16, x_sorted, wgu, wd)


_TMC = 256


def _shared_comb_body(hs_ref, swgu_ref, swd_ref, g0_ref, g1_ref,
                      w0_ref, w1_ref, out_ref):
    x = hs_ref[...]
    sgu = lax.dot_general(x, swgu_ref[...], (((1,), (1,)), ((), ())),
                          preferred_element_type=jnp.float32)
    sout = lax.dot_general(_silu_mul(sgu).astype(jnp.bfloat16), swd_ref[...],
                           (((1,), (1,)), ((), ())),
                           preferred_element_type=jnp.float32)
    out_ref[...] = (sout + g0_ref[...] * w0_ref[...]
                    + g1_ref[...] * w1_ref[...])


def _shared_comb(hs_bf, swgu, swd, rows_g, w0, w1):
    nt = _T // _TMC
    return pl.pallas_call(
        _shared_comb_body,
        grid=(nt,),
        in_specs=[
            pl.BlockSpec((_TMC, _H), lambda t: (t, 0)),
            pl.BlockSpec((2 * _DFF, _H), lambda t: (0, 0)),
            pl.BlockSpec((_H, _DFF), lambda t: (0, 0)),
            pl.BlockSpec((_TMC, _H), lambda t: (t, 0)),
            pl.BlockSpec((_TMC, _H), lambda t: (t + _T // _TMC, 0)),
            pl.BlockSpec((_TMC, 1), lambda t: (t, 0)),
            pl.BlockSpec((_TMC, 1), lambda t: (t, 0)),
        ],
        out_specs=pl.BlockSpec((_TMC, _H), lambda t: (t, 0)),
        out_shape=jax.ShapeDtypeStruct((_T, _H), jnp.float32),
    )(hs_bf, swgu, swd, rows_g, rows_g, w0, w1)


def kernel(hidden_states, gate_weight, e_score_correction_bias, w_gate_up,
           w_down, shared_w_gate_up, shared_w_down):
    bf = jnp.bfloat16
    scores = jax.nn.sigmoid((hidden_states @ gate_weight.T).astype(jnp.float32))

    posw, ww, pe32 = _route_book(scores, e_score_correction_bias)
    pos_flat = posw.T.reshape(_T * _K)
    pe_flat = pe32.reshape(32)

    x_sorted = _sc_dispatch(hidden_states, pos_flat)
    rows = _grouped_mm(pe_flat[:16], x_sorted, w_gate_up.astype(bf),
                       w_down.astype(bf))
    rows_g = _sc_combine(rows, pos_flat)
    return _shared_comb(hidden_states.astype(bf), shared_w_gate_up.astype(bf),
                        shared_w_down.astype(bf), rows_g,
                        ww[:, :1], ww[:, 1:])

# --- scband reference (transcript-rebuilt; emitter-appended) ---
"""Pipeline reference for scband-glm4-moe-sparse-moe-block-2491081031867 (READ-ONLY COPY).

The authoritative reference and input builder live on the scoring server;
editing this copy changes nothing except your own understanding.
"""

import jax, jax.numpy as jnp
import numpy as np

T = 2048
H = 1024
E = 8
K = 2
DFF = 1024
NG = 4
TG = 2
RSF = 1.0


def setup_inputs(seed: int = 0) -> dict:
    key = jax.random.key(seed)
    ks = jax.random.split(key, 8)
    return {
        "hidden_states": jax.random.normal(ks[0], (T, H), dtype=jnp.float32),
        "gate_weight": jax.random.normal(ks[1], (E, H), dtype=jnp.float32) * 0.02,
        "e_score_correction_bias": jax.random.normal(ks[2], (E,), dtype=jnp.float32) * 0.02,
        "w_gate_up": jax.random.normal(ks[3], (E, 2 * DFF, H), dtype=jnp.float32) * 0.02,
        "w_down": jax.random.normal(ks[4], (E, H, DFF), dtype=jnp.float32) * 0.02,
        "shared_w_gate_up": jax.random.normal(ks[5], (2 * DFF, H), dtype=jnp.float32) * 0.02,
        "shared_w_down": jax.random.normal(ks[6], (H, DFF), dtype=jnp.float32) * 0.02,
    }


def _silu_and_mul(x):
    d = x.shape[-1] // 2
    return jax.nn.silu(x[..., :d]) * x[..., d:]


def _grouped_topk(scores, bias):
    # DeepSeekV3-style grouped top-k routing (sigmoid scores + correction bias)
    Tn, En = scores.shape
    s_choice = scores + bias[None, :]
    group = s_choice.reshape(Tn, NG, En // NG)
    group_scores = jax.lax.top_k(group, 2)[0].sum(axis=-1)  # [T, NG]
    _, grp_idx = jax.lax.top_k(group_scores, TG)  # [T, TG]
    grp_mask = jnp.zeros((Tn, NG), dtype=scores.dtype).at[jnp.arange(Tn)[:, None], grp_idx].set(1.0)
    expert_mask = jnp.repeat(grp_mask, En // NG, axis=1)  # [T, E]
    masked = jnp.where(expert_mask > 0, s_choice, -jnp.inf)
    _, topk_idx = jax.lax.top_k(masked, K)  # [T, K]
    topk_w = jnp.take_along_axis(scores, topk_idx, axis=1)  # weights from original scores
    topk_w = topk_w / (topk_w.sum(axis=-1, keepdims=True) + 1e-20)  # renormalize
    topk_w = topk_w * RSF
    return topk_w, topk_idx


def reference(hidden_states, gate_weight, e_score_correction_bias, w_gate_up, w_down, shared_w_gate_up, shared_w_down):
    # Gate: router logits
    logits = hidden_states @ gate_weight.T
    scores = jax.nn.sigmoid(logits.astype(jnp.float32))
    topk_w, topk_idx = _grouped_topk(scores, e_score_correction_bias)
    # combine weights [T, E] via one-hot scatter of topk weights
    combine = (jax.nn.one_hot(topk_idx, E, dtype=hidden_states.dtype) * topk_w[..., None]).sum(axis=1)
    # Routed experts (dense einsum over all experts, masked combine)
    gate_up = jnp.einsum('th,eoh->teo', hidden_states, w_gate_up)  # [T, E, 2*DFF]
    act = _silu_and_mul(gate_up)  # [T, E, DFF]
    expert_out = jnp.einsum('tef,ehf->teh', act, w_down)  # [T, E, H]
    routed = jnp.einsum('teh,te->th', expert_out, combine)
    # Shared expert MLP
    sgu = hidden_states @ shared_w_gate_up.T
    shared = _silu_and_mul(sgu) @ shared_w_down.T
    return routed + shared

if __name__ == "__main__":
    import jax
    _d = setup_inputs()
    print(jax.jit(kernel)(*tuple(_d.values())))

</pallas_src>

<mosaic_0001>
#map = affine_map<(d0, d1) -> (0, 0)>
#map1 = affine_map<(d0, d1) -> (0)>
module attributes {stable_mosaic.version = 14 : i64} {
  func.func @k(%arg0: i32, %arg1: i32, %arg2: memref<6144x1024xf32, #tpu.memory_space<hbm>>, %arg3: memref<4096xi32, #tpu.memory_space<hbm>>, %arg4: memref<4096x1024xf32, #tpu.memory_space<hbm>>, %arg5: memref<32xi32, #tpu.memory_space<vmem>>, %arg6: memref<32x1024xf32, #tpu.memory_space<vmem>>, %arg7: memref<!tpu.dma_semaphore, #tpu.memory_space<semaphore_mem>>) attributes {dimension_semantics = [#tpu.dimension_semantics<core_parallel>, #tpu.dimension_semantics<subcore_parallel>], iteration_bounds = array<i64: 2, 16>, scalar_prefetch = 0 : i64, scratch_operands = 3 : i64, tpu.core_type = #tpu.core_type<sc_vector_subcore>, window_params = [{transform_indices = #map}, {transform_indices = #map1}, {transform_indices = #map}]} {
    %mul3A = arith.constant 2 : i32
    %mul3A_0 = arith.muli %arg1, %mul3A : i32
    %add3A = arith.addi %mul3A_0, %arg0 : i32
    %mul3A_1 = arith.constant 128 : i32
    %mul3A_2 = arith.muli %add3A, %mul3A_1 : i32
    %add3A_3 = arith.constant 0 : i32
    %add3A_4 = arith.addi %mul3A_2, %add3A_3 : i32
    "tpu.region"() ({
      %run_scoped3A = tpu.sem_alloc : memref<!tpu.dma_semaphore, #tpu.memory_space<semaphore_mem>>
      %dma_start3A_33 = tpu.memref_slice %arg3[%add3A_4] : memref<4096xi32, #tpu.memory_space<hbm>> -> memref<32xi32, #tpu.memory_space<hbm>>
      %dma_start3A_34 = tpu.memref_slice %arg3[%add3A_4] : memref<4096xi32, #tpu.memory_space<hbm>> -> memref<32xi32, #tpu.memory_space<hbm>>
      tpu.enqueue_dma source(%dma_start3A_34 : memref<32xi32, #tpu.memory_space<hbm>>) target(%arg5 : memref<32xi32, #tpu.memory_space<vmem>>) target_semaphore(%run_scoped3A : memref<!tpu.dma_semaphore, #tpu.memory_space<semaphore_mem>>)
      %dma_wait3A_35 = tpu.memref_slice %arg3[%add3A_4] : memref<4096xi32, #tpu.memory_space<hbm>> -> memref<32xi32, #tpu.memory_space<hbm>>
      %dma_wait3A_36 = tpu.memref_slice %arg3[%add3A_4] : memref<4096xi32, #tpu.memory_space<hbm>> -> memref<32xi32, #tpu.memory_space<hbm>>
      tpu.wait_dma2 semaphore(%run_scoped3A : memref<!tpu.dma_semaphore, #tpu.memory_space<semaphore_mem>>) src(%dma_wait3A_36 : memref<32xi32, #tpu.memory_space<hbm>>) dst(%arg5 : memref<32xi32, #tpu.memory_space<vmem>>)
      tpu.yield
    }) : () -> ()
    %dma_start3A = arith.constant 0 : i32
    %dma_start3A_5 = arith.constant 0 : i32
    %dma_start3A_6 = tpu.memref_slice %arg2[%dma_start3A, %dma_start3A_5] : memref<6144x1024xf32, #tpu.memory_space<hbm>> -> memref<6144x1024xf32, #tpu.memory_space<hbm>>
    tpu.enqueue_indirect_dma source(%dma_start3A_6 : memref<6144x1024xf32, #tpu.memory_space<hbm>>) target(%arg6 : memref<32x1024xf32, #tpu.memory_space<vmem>>) offsets(%arg5 : memref<32xi32, #tpu.memory_space<vmem>>) semaphore(%arg7 : memref<!tpu.dma_semaphore, #tpu.memory_space<semaphore_mem>>)
    %dma_wait3A = arith.constant 0 : i32
    %dma_wait3A_7 = arith.constant 0 : i32
    %dma_wait3A_8 = tpu.memref_slice %arg2[%dma_wait3A, %dma_wait3A_7] : memref<6144x1024xf32, #tpu.memory_space<hbm>> -> memref<6144x1024xf32, #tpu.memory_space<hbm>>
    tpu.wait_indirect_dma semaphore(%arg7 : memref<!tpu.dma_semaphore, #tpu.memory_space<semaphore_mem>>) src(%dma_wait3A_8 : memref<6144x1024xf32, #tpu.memory_space<hbm>>) dst(%arg6 : memref<32x1024xf32, #tpu.memory_space<vmem>>)
    "tpu.region"() ({
      %run_scoped3A = tpu.sem_alloc : memref<!tpu.dma_semaphore, #tpu.memory_space<semaphore_mem>>
      %dma_start3A_33 = arith.constant 0 : i32
      %dma_start3A_34 = tpu.memref_slice %arg4[%add3A_4, %dma_start3A_33] : memref<4096x1024xf32, #tpu.memory_space<hbm>> -> memref<32x1024xf32, #tpu.memory_space<hbm>>
      %dma_start3A_35 = arith.constant 0 : i32
      %dma_start3A_36 = tpu.memref_slice %arg4[%add3A_4, %dma_start3A_35] : memref<4096x1024xf32, #tpu.memory_space<hbm>> -> memref<32x1024xf32, #tpu.memory_space<hbm>>
      tpu.enqueue_dma source(%arg6 : memref<32x1024xf32, #tpu.memory_space<vmem>>) target(%dma_start3A_36 : memref<32x1024xf32, #tpu.memory_space<hbm>>) target_semaphore(%run_scoped3A : memref<!tpu.dma_semaphore, #tpu.memory_space<semaphore_mem>>)
      %dma_wait3A_37 = arith.constant 0 : i32
      %dma_wait3A_38 = tpu.memref_slice %arg4[%add3A_4, %dma_wait3A_37] : memref<4096x1024xf32, #tpu.memory_space<hbm>> -> memref<32x1024xf32, #tpu.memory_space<hbm>>
      %dma_wait3A_39 = arith.constant 0 : i32
      %dma_wait3A_40 = tpu.memref_slice %arg4[%add3A_4, %dma_wait3A_39] : memref<4096x1024xf32, #tpu.memory_space<hbm>> -> memref<32x1024xf32, #tpu.memory_space<hbm>>
      tpu.wait_dma2 semaphore(%run_scoped3A : memref<!tpu.dma_semaphore, #tpu.memory_space<semaphore_mem>>) src(%arg6 : memref<32x1024xf32, #tpu.memory_space<vmem>>) dst(%dma_wait3A_40 : memref<32x1024xf32, #tpu.memory_space<hbm>>)
      tpu.yield
    }) : () -> ()
    %add3A_9 = arith.constant 32 : i32
    %add3A_10 = arith.addi %mul3A_2, %add3A_9 : i32
    "tpu.region"() ({
      %run_scoped3A = tpu.sem_alloc : memref<!tpu.dma_semaphore, #tpu.memory_space<semaphore_mem>>
      %dma_start3A_33 = tpu.memref_slice %arg3[%add3A_10] : memref<4096xi32, #tpu.memory_space<hbm>> -> memref<32xi32, #tpu.memory_space<hbm>>
      %dma_start3A_34 = tpu.memref_slice %arg3[%add3A_10] : memref<4096xi32, #tpu.memory_space<hbm>> -> memref<32xi32, #tpu.memory_space<hbm>>
      tpu.enqueue_dma source(%dma_start3A_34 : memref<32xi32, #tpu.memory_space<hbm>>) target(%arg5 : memref<32xi32, #tpu.memory_space<vmem>>) target_semaphore(%run_scoped3A : memref<!tpu.dma_semaphore, #tpu.memory_space<semaphore_mem>>)
      %dma_wait3A_35 = tpu.memref_slice %arg3[%add3A_10] : memref<4096xi32, #tpu.memory_space<hbm>> -> memref<32xi32, #tpu.memory_space<hbm>>
      %dma_wait3A_36 = tpu.memref_slice %arg3[%add3A_10] : memref<4096xi32, #tpu.memory_space<hbm>> -> memref<32xi32, #tpu.memory_space<hbm>>
      tpu.wait_dma2 semaphore(%run_scoped3A : memref<!tpu.dma_semaphore, #tpu.memory_space<semaphore_mem>>) src(%dma_wait3A_36 : memref<32xi32, #tpu.memory_space<hbm>>) dst(%arg5 : memref<32xi32, #tpu.memory_space<vmem>>)
      tpu.yield
    }) : () -> ()
    %dma_start3A_11 = arith.constant 0 : i32
    %dma_start3A_12 = arith.constant 0 : i32
    %dma_start3A_13 = tpu.memref_slice %arg2[%dma_start3A_11, %dma_start3A_12] : memref<6144x1024xf32, #tpu.memory_space<hbm>> -> memref<6144x1024xf32, #tpu.memory_space<hbm>>
    tpu.enqueue_indirect_dma source(%dma_start3A_13 : memref<6144x1024xf32, #tpu.memory_space<hbm>>) target(%arg6 : memref<32x1024xf32, #tpu.memory_space<vmem>>) offsets(%arg5 : memref<32xi32, #tpu.memory_space<vmem>>) semaphore(%arg7 : memref<!tpu.dma_semaphore, #tpu.memory_space<semaphore_mem>>)
    %dma_wait3A_14 = arith.constant 0 : i32
    %dma_wait3A_15 = arith.constant 0 : i32
    %dma_wait3A_16 = tpu.memref_slice %arg2[%dma_wait3A_14, %dma_wait3A_15] : memref<6144x1024xf32, #tpu.memory_space<hbm>> -> memref<6144x1024xf32, #tpu.memory_space<hbm>>
    tpu.wait_indirect_dma semaphore(%arg7 : memref<!tpu.dma_semaphore, #tpu.memory_space<semaphore_mem>>) src(%dma_wait3A_16 : memref<6144x1024xf32, #tpu.memory_space<hbm>>) dst(%arg6 : memref<32x1024xf32, #tpu.memory_space<vmem>>)
    "tpu.region"() ({
      %run_scoped3A = tpu.sem_alloc : memref<!tpu.dma_semaphore, #tpu.memory_space<semaphore_mem>>
      %dma_start3A_33 = arith.constant 0 : i32
      %dma_start3A_34 = tpu.memref_slice %arg4[%add3A_10, %dma_start3A_33] : memref<4096x1024xf32, #tpu.memory_space<hbm>> -> memref<32x1024xf32, #tpu.memory_space<hbm>>
      %dma_start3A_35 = arith.constant 0 : i32
      %dma_start3A_36 = tpu.memref_slice %arg4[%add3A_10, %dma_start3A_35] : memref<4096x1024xf32, #tpu.memory_space<hbm>> -> memref<32x1024xf32, #tpu.memory_space<hbm>>
      tpu.enqueue_dma source(%arg6 : memref<32x1024xf32, #tpu.memory_space<vmem>>) target(%dma_start3A_36 : memref<32x1024xf32, #tpu.memory_space<hbm>>) target_semaphore(%run_scoped3A : memref<!tpu.dma_semaphore, #tpu.memory_space<semaphore_mem>>)
      %dma_wait3A_37 = arith.constant 0 : i32
      %dma_wait3A_38 = tpu.memref_slice %arg4[%add3A_10, %dma_wait3A_37] : memref<4096x1024xf32, #tpu.memory_space<hbm>> -> memref<32x1024xf32, #tpu.memory_space<hbm>>
      %dma_wait3A_39 = arith.constant 0 : i32
      %dma_wait3A_40 = tpu.memref_slice %arg4[%add3A_10, %dma_wait3A_39] : memref<4096x1024xf32, #tpu.memory_space<hbm>> -> memref<32x1024xf32, #tpu.memory_space<hbm>>
      tpu.wait_dma2 semaphore(%run_scoped3A : memref<!tpu.dma_semaphore, #tpu.memory_space<semaphore_mem>>) src(%arg6 : memref<32x1024xf32, #tpu.memory_space<vmem>>) dst(%dma_wait3A_40 : memref<32x1024xf32, #tpu.memory_space<hbm>>)
      tpu.yield
    }) : () -> ()
    %add3A_17 = arith.constant 64 : i32
    %add3A_18 = arith.addi %mul3A_2, %add3A_17 : i32
    "tpu.region"() ({
      %run_scoped3A = tpu.sem_alloc : memref<!tpu.dma_semaphore, #tpu.memory_space<semaphore_mem>>
      %dma_start3A_33 = tpu.memref_slice %arg3[%add3A_18] : memref<4096xi32, #tpu.memory_space<hbm>> -> memref<32xi32, #tpu.memory_space<hbm>>
      %dma_start3A_34 = tpu.memref_slice %arg3[%add3A_18] : memref<4096xi32, #tpu.memory_space<hbm>> -> memref<32xi32, #tpu.memory_space<hbm>>
      tpu.enqueue_dma source(%dma_start3A_34 : memref<32xi32, #tpu.memory_space<hbm>>) target(%arg5 : memref<32xi32, #tpu.memory_space<vmem>>) target_semaphore(%run_scoped3A : memref<!tpu.dma_semaphore, #tpu.memory_space<semaphore_mem>>)
      %dma_wait3A_35 = tpu.memref_slice %arg3[%add3A_18] : memref<4096xi32, #tpu.memory_space<hbm>> -> memref<32xi32, #tpu.memory_space<hbm>>
      %dma_wait3A_36 = tpu.memref_slice %arg3[%add3A_18] : memref<4096xi32, #tpu.memory_space<hbm>> -> memref<32xi32, #tpu.memory_space<hbm>>
      tpu.wait_dma2 semaphore(%run_scoped3A : memref<!tpu.dma_semaphore, #tpu.memory_space<semaphore_mem>>) src(%dma_wait3A_36 : memref<32xi32, #tpu.memory_space<hbm>>) dst(%arg5 : memref<32xi32, #tpu.memory_space<vmem>>)
      tpu.yield
    }) : () -> ()
    %dma_start3A_19 = arith.constant 0 : i32
    %dma_start3A_20 = arith.constant 0 : i32
    %dma_start3A_21 = tpu.memref_slice %arg2[%dma_start3A_19, %dma_start3A_20] : memref<6144x1024xf32, #tpu.memory_space<hbm>> -> memref<6144x1024xf32, #tpu.memory_space<hbm>>
    tpu.enqueue_indirect_dma source(%dma_start3A_21 : memref<6144x1024xf32, #tpu.memory_space<hbm>>) target(%arg6 : memref<32x1024xf32, #tpu.memory_space<vmem>>) offsets(%arg5 : memref<32xi32, #tpu.memory_space<vmem>>) semaphore(%arg7 : memref<!tpu.dma_semaphore, #tpu.memory_space<semaphore_mem>>)
    %dma_wait3A_22 = arith.constant 0 : i32
    %dma_wait3A_23 = arith.constant 0 : i32
    %dma_wait3A_24 = tpu.memref_slice %arg2[%dma_wait3A_22, %dma_wait3A_23] : memref<6144x1024xf32, #tpu.memory_space<hbm>> -> memref<6144x1024xf32, #tpu.memory_space<hbm>>
    tpu.wait_indirect_dma semaphore(%arg7 : memref<!tpu.dma_semaphore, #tpu.memory_space<semaphore_mem>>) src(%dma_wait3A_24 : memref<6144x1024xf32, #tpu.memory_space<hbm>>) dst(%arg6 : memref<32x1024xf32, #tpu.memory_space<vmem>>)
    "tpu.region"() ({
      %run_scoped3A = tpu.sem_alloc : memref<!tpu.dma_semaphore, #tpu.memory_space<semaphore_mem>>
      %dma_start3A_33 = arith.constant 0 : i32
      %dma_start3A_34 = tpu.memref_slice %arg4[%add3A_18, %dma_start3A_33] : memref<4096x1024xf32, #tpu.memory_space<hbm>> -> memref<32x1024xf32, #tpu.memory_space<hbm>>
      %dma_start3A_35 = arith.constant 0 : i32
      %dma_start3A_36 = tpu.memref_slice %arg4[%add3A_18, %dma_start3A_35] : memref<4096x1024xf32, #tpu.memory_space<hbm>> -> memref<32x1024xf32, #tpu.memory_space<hbm>>
      tpu.enqueue_dma source(%arg6 : memref<32x1024xf32, #tpu.memory_space<vmem>>) target(%dma_start3A_36 : memref<32x1024xf32, #tpu.memory_space<hbm>>) target_semaphore(%run_scoped3A : memref<!tpu.dma_semaphore, #tpu.memory_space<semaphore_mem>>)
      %dma_wait3A_37 = arith.constant 0 : i32
      %dma_wait3A_38 = tpu.memref_slice %arg4[%add3A_18, %dma_wait3A_37] : memref<4096x1024xf32, #tpu.memory_space<hbm>> -> memref<32x1024xf32, #tpu.memory_space<hbm>>
      %dma_wait3A_39 = arith.constant 0 : i32
      %dma_wait3A_40 = tpu.memref_slice %arg4[%add3A_18, %dma_wait3A_39] : memref<4096x1024xf32, #tpu.memory_space<hbm>> -> memref<32x1024xf32, #tpu.memory_space<hbm>>
      tpu.wait_dma2 semaphore(%run_scoped3A : memref<!tpu.dma_semaphore, #tpu.memory_space<semaphore_mem>>) src(%arg6 : memref<32x1024xf32, #tpu.memory_space<vmem>>) dst(%dma_wait3A_40 : memref<32x1024xf32, #tpu.memory_space<hbm>>)
      tpu.yield
    }) : () -> ()
    %add3A_25 = arith.constant 96 : i32
    %add3A_26 = arith.addi %mul3A_2, %add3A_25 : i32
    "tpu.region"() ({
      %run_scoped3A = tpu.sem_alloc : memref<!tpu.dma_semaphore, #tpu.memory_space<semaphore_mem>>
      %dma_start3A_33 = tpu.memref_slice %arg3[%add3A_26] : memref<4096xi32, #tpu.memory_space<hbm>> -> memref<32xi32, #tpu.memory_space<hbm>>
      %dma_start3A_34 = tpu.memref_slice %arg3[%add3A_26] : memref<4096xi32, #tpu.memory_space<hbm>> -> memref<32xi32, #tpu.memory_space<hbm>>
      tpu.enqueue_dma source(%dma_start3A_34 : memref<32xi32, #tpu.memory_space<hbm>>) target(%arg5 : memref<32xi32, #tpu.memory_space<vmem>>) target_semaphore(%run_scoped3A : memref<!tpu.dma_semaphore, #tpu.memory_space<semaphore_mem>>)
      %dma_wait3A_35 = tpu.memref_slice %arg3[%add3A_26] : memref<4096xi32, #tpu.memory_space<hbm>> -> memref<32xi32, #tpu.memory_space<hbm>>
      %dma_wait3A_36 = tpu.memref_slice %arg3[%add3A_26] : memref<4096xi32, #tpu.memory_space<hbm>> -> memref<32xi32, #tpu.memory_space<hbm>>
      tpu.wait_dma2 semaphore(%run_scoped3A : memref<!tpu.dma_semaphore, #tpu.memory_space<semaphore_mem>>) src(%dma_wait3A_36 : memref<32xi32, #tpu.memory_space<hbm>>) dst(%arg5 : memref<32xi32, #tpu.memory_space<vmem>>)
      tpu.yield
    }) : () -> ()
    %dma_start3A_27 = arith.constant 0 : i32
    %dma_start3A_28 = arith.constant 0 : i32
    %dma_start3A_29 = tpu.memref_slice %arg2[%dma_start3A_27, %dma_start3A_28] : memref<6144x1024xf32, #tpu.memory_space<hbm>> -> memref<6144x1024xf32, #tpu.memory_space<hbm>>
    tpu.enqueue_indirect_dma source(%dma_start3A_29 : memref<6144x1024xf32, #tpu.memory_space<hbm>>) target(%arg6 : memref<32x1024xf32, #tpu.memory_space<vmem>>) offsets(%arg5 : memref<32xi32, #tpu.memory_space<vmem>>) semaphore(%arg7 : memref<!tpu.dma_semaphore, #tpu.memory_space<semaphore_mem>>)
    %dma_wait3A_30 = arith.constant 0 : i32
    %dma_wait3A_31 = arith.constant 0 : i32
    %dma_wait3A_32 = tpu.memref_slice %arg2[%dma_wait3A_30, %dma_wait3A_31] : memref<6144x1024xf32, #tpu.memory_space<hbm>> -> memref<6144x1024xf32, #tpu.memory_space<hbm>>
    tpu.wait_indirect_dma semaphore(%arg7 : memref<!tpu.dma_semaphore, #tpu.memory_space<semaphore_mem>>) src(%dma_wait3A_32 : memref<6144x1024xf32, #tpu.memory_space<hbm>>) dst(%arg6 : memref<32x1024xf32, #tpu.memory_space<vmem>>)
    "tpu.region"() ({
      %run_scoped3A = tpu.sem_alloc : memref<!tpu.dma_semaphore, #tpu.memory_space<semaphore_mem>>
      %dma_start3A_33 = arith.constant 0 : i32
      %dma_start3A_34 = tpu.memref_slice %arg4[%add3A_26, %dma_start3A_33] : memref<4096x1024xf32, #tpu.memory_space<hbm>> -> memref<32x1024xf32, #tpu.memory_space<hbm>>
      %dma_start3A_35 = arith.constant 0 : i32
      %dma_start3A_36 = tpu.memref_slice %arg4[%add3A_26, %dma_start3A_35] : memref<4096x1024xf32, #tpu.memory_space<hbm>> -> memref<32x1024xf32, #tpu.memory_space<hbm>>
      tpu.enqueue_dma source(%arg6 : memref<32x1024xf32, #tpu.memory_space<vmem>>) target(%dma_start3A_36 : memref<32x1024xf32, #tpu.memory_space<hbm>>) target_semaphore(%run_scoped3A : memref<!tpu.dma_semaphore, #tpu.memory_space<semaphore_mem>>)
      %dma_wait3A_37 = arith.constant 0 : i32
      %dma_wait3A_38 = tpu.memref_slice %arg4[%add3A_26, %dma_wait3A_37] : memref<4096x1024xf32, #tpu.memory_space<hbm>> -> memref<32x1024xf32, #tpu.memory_space<hbm>>
      %dma_wait3A_39 = arith.constant 0 : i32
      %dma_wait3A_40 = tpu.memref_slice %arg4[%add3A_26, %dma_wait3A_39] : memref<4096x1024xf32, #tpu.memory_space<hbm>> -> memref<32x1024xf32, #tpu.memory_space<hbm>>
      tpu.wait_dma2 semaphore(%run_scoped3A : memref<!tpu.dma_semaphore, #tpu.memory_space<semaphore_mem>>) src(%arg6 : memref<32x1024xf32, #tpu.memory_space<vmem>>) dst(%dma_wait3A_40 : memref<32x1024xf32, #tpu.memory_space<hbm>>)
      tpu.yield
    }) : () -> ()
    return
  }
}

#map = affine_map<(d0, d1) -> (0, 0)>
#map1 = affine_map<(d0, d1) -> (0)>
module attributes {stable_mosaic.version = 14 : i64} {
  func.func @k(%arg0: i32, %arg1: i32, %arg2: memref<2048x1024xf32, #tpu.memory_space<hbm>>, %arg3: memref<4096xi32, #tpu.memory_space<hbm>>, %arg4: memref<6144x1024xf32, #tpu.memory_space<hbm>>, %arg5: memref<32xi32, #tpu.memory_space<vmem>>, %arg6: memref<32x1024xf32, #tpu.memory_space<vmem>>, %arg7: memref<!tpu.dma_semaphore, #tpu.memory_space<semaphore_mem>>) attributes {dimension_semantics = [#tpu.dimension_semantics<core_parallel>, #tpu.dimension_semantics<subcore_parallel>], iteration_bounds = array<i64: 2, 16>, scalar_prefetch = 0 : i64, scratch_operands = 3 : i64, tpu.core_type = #tpu.core_type<sc_vector_subcore>, window_params = [{transform_indices = #map}, {transform_indices = #map1}, {transform_indices = #map}]} {
    %mul3A = arith.constant 2 : i32
    %mul3A_0 = arith.muli %arg1, %mul3A : i32
    %add3A = arith.addi %mul3A_0, %arg0 : i32
    %mul3A_1 = arith.constant 128 : i32
    %mul3A_2 = arith.muli %add3A, %mul3A_1 : i32
    %jit3A = arith.constant 16 : i32
    %eq3A = arith.constant 0 : i32
    %eq3A_3 = arith.cmpi eq, %jit3A, %eq3A : i32
    %jit3A_4 = arith.constant 1 : i32
    %select_n3A = arith.select %eq3A_3, %jit3A_4, %jit3A : i32
    %rem3A = arith.remsi %add3A, %select_n3A : i32
    %ne3A = arith.constant 0 : i32
    %ne3A_5 = arith.cmpi ne, %rem3A, %ne3A : i32
    %lt3A = arith.constant 0 : i32
    %lt3A_6 = arith.cmpi slt, %rem3A, %lt3A : i32
    %lt3A_7 = arith.constant 0 : i32
    %lt3A_8 = arith.cmpi slt, %select_n3A, %lt3A_7 : i32
    %ne3A_9 = arith.xori %lt3A_6, %lt3A_8 : i1
    %and3A = arith.andi %ne3A_9, %ne3A_5 : i1
    %add3A_10 = arith.addi %rem3A, %select_n3A : i32
    %select_n3A_11 = arith.select %and3A, %add3A_10, %rem3A : i32
    %mul3A_12 = arith.constant 128 : i32
    %mul3A_13 = arith.muli %select_n3A_11, %mul3A_12 : i32
    %add3A_14 = arith.constant 0 : i32
    %add3A_15 = arith.addi %mul3A_2, %add3A_14 : i32
    "tpu.region"() ({
      %run_scoped3A = tpu.sem_alloc : memref<!tpu.dma_semaphore, #tpu.memory_space<semaphore_mem>>
      %dma_start3A_52 = tpu.memref_slice %arg3[%add3A_15] : memref<4096xi32, #tpu.memory_space<hbm>> -> memref<32xi32, #tpu.memory_space<hbm>>
      %dma_start3A_53 = tpu.memref_slice %arg3[%add3A_15] : memref<4096xi32, #tpu.memory_space<hbm>> -> memref<32xi32, #tpu.memory_space<hbm>>
      tpu.enqueue_dma source(%dma_start3A_53 : memref<32xi32, #tpu.memory_space<hbm>>) target(%arg5 : memref<32xi32, #tpu.memory_space<vmem>>) target_semaphore(%run_scoped3A : memref<!tpu.dma_semaphore, #tpu.memory_space<semaphore_mem>>)
      %dma_wait3A_54 = tpu.memref_slice %arg3[%add3A_15] : memref<4096xi32, #tpu.memory_space<hbm>> -> memref<32xi32, #tpu.memory_space<hbm>>
      %dma_wait3A_55 = tpu.memref_slice %arg3[%add3A_15] : memref<4096xi32, #tpu.memory_space<hbm>> -> memref<32xi32, #tpu.memory_space<hbm>>
      tpu.wait_dma2 semaphore(%run_scoped3A : memref<!tpu.dma_semaphore, #tpu.memory_space<semaphore_mem>>) src(%dma_wait3A_55 : memref<32xi32, #tpu.memory_space<hbm>>) dst(%arg5 : memref<32xi32, #tpu.memory_space<vmem>>)
      tpu.yield
    }) : () -> ()
    %add3A_16 = arith.constant 0 : i32
    %add3A_17 = arith.addi %mul3A_13, %add3A_16 : i32
    "tpu.region"() ({
      %run_scoped3A = tpu.sem_alloc : memref<!tpu.dma_semaphore, #tpu.memory_space<semaphore_mem>>
      %dma_start3A_52 = arith.constant 0 : i32
      %dma_start3A_53 = tpu.memref_slice %arg2[%add3A_17, %dma_start3A_52] : memref<2048x1024xf32, #tpu.memory_space<hbm>> -> memref<32x1024xf32, #tpu.memory_space<hbm>>
      %dma_start3A_54 = arith.constant 0 : i32
      %dma_start3A_55 = tpu.memref_slice %arg2[%add3A_17, %dma_start3A_54] : memref<2048x1024xf32, #tpu.memory_space<hbm>> -> memref<32x1024xf32, #tpu.memory_space<hbm>>
      tpu.enqueue_dma source(%dma_start3A_55 : memref<32x1024xf32, #tpu.memory_space<hbm>>) target(%arg6 : memref<32x1024xf32, #tpu.memory_space<vmem>>) target_semaphore(%run_scoped3A : memref<!tpu.dma_semaphore, #tpu.memory_space<semaphore_mem>>)
      %dma_wait3A_56 = arith.constant 0 : i32
      %dma_wait3A_57 = tpu.memref_slice %arg2[%add3A_17, %dma_wait3A_56] : memref<2048x1024xf32, #tpu.memory_space<hbm>> -> memref<32x1024xf32, #tpu.memory_space<hbm>>
      %dma_wait3A_58 = arith.constant 0 : i32
      %dma_wait3A_59 = tpu.memref_slice %arg2[%add3A_17, %dma_wait3A_58] : memref<2048x1024xf32, #tpu.memory_space<hbm>> -> memref<32x1024xf32, #tpu.memory_space<hbm>>
      tpu.wait_dma2 semaphore(%run_scoped3A : memref<!tpu.dma_semaphore, #tpu.memory_space<semaphore_mem>>) src(%dma_wait3A_59 : memref<32x1024xf32, #tpu.memory_space<hbm>>) dst(%arg6 : memref<32x1024xf32, #tpu.memory_space<vmem>>)
      tpu.yield
    }) : () -> ()
    %dma_start3A = arith.constant 0 : i32
    %dma_start3A_18 = arith.constant 0 : i32
    %dma_start3A_19 = tpu.memref_slice %arg4[%dma_start3A, %dma_start3A_18] : memref<6144x1024xf32, #tpu.memory_space<hbm>> -> memref<6144x1024xf32, #tpu.memory_space<hbm>>
    tpu.enqueue_indirect_dma source(%arg6 : memref<32x1024xf32, #tpu.memory_space<vmem>>) target(%dma_start3A_19 : memref<6144x1024xf32, #tpu.memory_space<hbm>>) offsets(%arg5 : memref<32xi32, #tpu.memory_space<vmem>>) semaphore(%arg7 : memref<!tpu.dma_semaphore, #tpu.memory_space<semaphore_mem>>)
    %dma_wait3A = arith.constant 0 : i32
    %dma_wait3A_20 = arith.constant 0 : i32
    %dma_wait3A_21 = tpu.memref_slice %arg4[%dma_wait3A, %dma_wait3A_20] : memref<6144x1024xf32, #tpu.memory_space<hbm>> -> memref<6144x1024xf32, #tpu.memory_space<hbm>>
    tpu.wait_indirect_dma semaphore(%arg7 : memref<!tpu.dma_semaphore, #tpu.memory_space<semaphore_mem>>) src(%arg6 : memref<32x1024xf32, #tpu.memory_space<vmem>>) dst(%dma_wait3A_21 : memref<6144x1024xf32, #tpu.memory_space<hbm>>)
    %add3A_22 = arith.constant 32 : i32
    %add3A_23 = arith.addi %mul3A_2, %add3A_22 : i32
    "tpu.region"() ({
      %run_scoped3A = tpu.sem_alloc : memref<!tpu.dma_semaphore, #tpu.memory_space<semaphore_mem>>
      %dma_start3A_52 = tpu.memref_slice %arg3[%add3A_23] : memref<4096xi32, #tpu.memory_space<hbm>> -> memref<32xi32, #tpu.memory_space<hbm>>
      %dma_start3A_53 = tpu.memref_slice %arg3[%add3A_23] : memref<4096xi32, #tpu.memory_space<hbm>> -> memref<32xi32, #tpu.memory_space<hbm>>
      tpu.enqueue_dma source(%dma_start3A_53 : memref<32xi32, #tpu.memory_space<hbm>>) target(%arg5 : memref<32xi32, #tpu.memory_space<vmem>>) target_semaphore(%run_scoped3A : memref<!tpu.dma_semaphore, #tpu.memory_space<semaphore_mem>>)
      %dma_wait3A_54 = tpu.memref_slice %arg3[%add3A_23] : memref<4096xi32, #tpu.memory_space<hbm>> -> memref<32xi32, #tpu.memory_space<hbm>>
      %dma_wait3A_55 = tpu.memref_slice %arg3[%add3A_23] : memref<4096xi32, #tpu.memory_space<hbm>> -> memref<32xi32, #tpu.memory_space<hbm>>
      tpu.wait_dma2 semaphore(%run_scoped3A : memref<!tpu.dma_semaphore, #tpu.memory_space<semaphore_mem>>) src(%dma_wait3A_55 : memref<32xi32, #tpu.memory_space<hbm>>) dst(%arg5 : memref<32xi32, #tpu.memory_space<vmem>>)
      tpu.yield
    }) : () -> ()
    %add3A_24 = arith.constant 32 : i32
    %add3A_25 = arith.addi %mul3A_13, %add3A_24 : i32
    "tpu.region"() ({
      %run_scoped3A = tpu.sem_alloc : memref<!tpu.dma_semaphore, #tpu.memory_space<semaphore_mem>>
      %dma_start3A_52 = arith.constant 0 : i32
      %dma_start3A_53 = tpu.memref_slice %arg2[%add3A_25, %dma_start3A_52] : memref<2048x1024xf32, #tpu.memory_space<hbm>> -> memref<32x1024xf32, #tpu.memory_space<hbm>>
      %dma_start3A_54 = arith.constant 0 : i32
      %dma_start3A_55 = tpu.memref_slice %arg2[%add3A_25, %dma_start3A_54] : memref<2048x1024xf32, #tpu.memory_space<hbm>> -> memref<32x1024xf32, #tpu.memory_space<hbm>>
      tpu.enqueue_dma source(%dma_start3A_55 : memref<32x1024xf32, #tpu.memory_space<hbm>>) target(%arg6 : memref<32x1024xf32, #tpu.memory_space<vmem>>) target_semaphore(%run_scoped3A : memref<!tpu.dma_semaphore, #tpu.memory_space<semaphore_mem>>)
      %dma_wait3A_56 = arith.constant 0 : i32
      %dma_wait3A_57 = tpu.memref_slice %arg2[%add3A_25, %dma_wait3A_56] : memref<2048x1024xf32, #tpu.memory_space<hbm>> -> memref<32x1024xf32, #tpu.memory_space<hbm>>
      %dma_wait3A_58 = arith.constant 0 : i32
      %dma_wait3A_59 = tpu.memref_slice %arg2[%add3A_25, %dma_wait3A_58] : memref<2048x1024xf32, #tpu.memory_space<hbm>> -> memref<32x1024xf32, #tpu.memory_space<hbm>>
      tpu.wait_dma2 semaphore(%run_scoped3A : memref<!tpu.dma_semaphore, #tpu.memory_space<semaphore_mem>>) src(%dma_wait3A_59 : memref<32x1024xf32, #tpu.memory_space<hbm>>) dst(%arg6 : memref<32x1024xf32, #tpu.memory_space<vmem>>)
      tpu.yield
    }) : () -> ()
    %dma_start3A_26 = arith.constant 0 : i32
    %dma_start3A_27 = arith.constant 0 : i32
    %dma_start3A_28 = tpu.memref_slice %arg4[%dma_start3A_26, %dma_start3A_27] : memref<6144x1024xf32, #tpu.memory_space<hbm>> -> memref<6144x1024xf32, #tpu.memory_space<hbm>>
    tpu.enqueue_indirect_dma source(%arg6 : memref<32x1024xf32, #tpu.memory_space<vmem>>) target(%dma_start3A_28 : memref<6144x1024xf32, #tpu.memory_space<hbm>>) offsets(%arg5 : memref<32xi32, #tpu.memory_space<vmem>>) semaphore(%arg7 : memref<!tpu.dma_semaphore, #tpu.memory_space<semaphore_mem>>)
    %dma_wait3A_29 = arith.constant 0 : i32
    %dma_wait3A_30 = arith.constant 0 : i32
    %dma_wait3A_31 = tpu.memref_slice %arg4[%dma_wait3A_29, %dma_wait3A_30] : memref<6144x1024xf32, #tpu.memory_space<hbm>> -> memref<6144x1024xf32, #tpu.memory_space<hbm>>
    tpu.wait_indirect_dma semaphore(%arg7 : memref<!tpu.dma_semaphore, #tpu.memory_space<semaphore_mem>>) src(%arg6 : memref<32x1024xf32, #tpu.memory_space<vmem>>) dst(%dma_wait3A_31 : memref<6144x1024xf32, #tpu.memory_space<hbm>>)
    %add3A_32 = arith.constant 64 : i32
    %add3A_33 = arith.addi %mul3A_2, %add3A_32 : i32
    "tpu.region"() ({
      %run_scoped3A = tpu.sem_alloc : memref<!tpu.dma_semaphore, #tpu.memory_space<semaphore_mem>>
      %dma_start3A_52 = tpu.memref_slice %arg3[%add3A_33] : memref<4096xi32, #tpu.memory_space<hbm>> -> memref<32xi32, #tpu.memory_space<hbm>>
      %dma_start3A_53 = tpu.memref_slice %arg3[%add3A_33] : memref<4096xi32, #tpu.memory_space<hbm>> -> memref<32xi32, #tpu.memory_space<hbm>>
      tpu.enqueue_dma source(%dma_start3A_53 : memref<32xi32, #tpu.memory_space<hbm>>) target(%arg5 : memref<32xi32, #tpu.memory_space<vmem>>) target_semaphore(%run_scoped3A : memref<!tpu.dma_semaphore, #tpu.memory_space<semaphore_mem>>)
      %dma_wait3A_54 = tpu.memref_slice %arg3[%add3A_33] : memref<4096xi32, #tpu.memory_space<hbm>> -> memref<32xi32, #tpu.memory_space<hbm>>
      %dma_wait3A_55 = tpu.memref_slice %arg3[%add3A_33] : memref<4096xi32, #tpu.memory_space<hbm>> -> memref<32xi32, #tpu.memory_space<hbm>>
      tpu.wait_dma2 semaphore(%run_scoped3A : memref<!tpu.dma_semaphore, #tpu.memory_space<semaphore_mem>>) src(%dma_wait3A_55 : memref<32xi32, #tpu.memory_space<hbm>>) dst(%arg5 : memref<32xi32, #tpu.memory_space<vmem>>)
      tpu.yield
    }) : () -> ()
    %add3A_34 = arith.constant 64 : i32
    %add3A_35 = arith.addi %mul3A_13, %add3A_34 : i32
    "tpu.region"() ({
      %run_scoped3A = tpu.sem_alloc : memref<!tpu.dma_semaphore, #tpu.memory_space<semaphore_mem>>
      %dma_start3A_52 = arith.constant 0 : i32
      %dma_start3A_53 = tpu.memref_slice %arg2[%add3A_35, %dma_start3A_52] : memref<2048x1024xf32, #tpu.memory_space<hbm>> -> memref<32x1024xf32, #tpu.memory_space<hbm>>
      %dma_start3A_54 = arith.constant 0 : i32
      %dma_start3A_55 = tpu.memref_slice %arg2[%add3A_35, %dma_start3A_54] : memref<2048x1024xf32, #tpu.memory_space<hbm>> -> memref<32x1024xf32, #tpu.memory_space<hbm>>
      tpu.enqueue_dma source(%dma_start3A_55 : memref<32x1024xf32, #tpu.memory_space<hbm>>) target(%arg6 : memref<32x1024xf32, #tpu.memory_space<vmem>>) target_semaphore(%run_scoped3A : memref<!tpu.dma_semaphore, #tpu.memory_space<semaphore_mem>>)
      %dma_wait3A_56 = arith.constant 0 : i32
      %dma_wait3A_57 = tpu.memref_slice %arg2[%add3A_35, %dma_wait3A_56] : memref<2048x1024xf32, #tpu.memory_space<hbm>> -> memref<32x1024xf32, #tpu.memory_space<hbm>>
      %dma_wait3A_58 = arith.constant 0 : i32
      %dma_wait3A_59 = tpu.memref_slice %arg2[%add3A_35, %dma_wait3A_58] : memref<2048x1024xf32, #tpu.memory_space<hbm>> -> memref<32x1024xf32, #tpu.memory_space<hbm>>
      tpu.wait_dma2 semaphore(%run_scoped3A : memref<!tpu.dma_semaphore, #tpu.memory_space<semaphore_mem>>) src(%dma_wait3A_59 : memref<32x1024xf32, #tpu.memory_space<hbm>>) dst(%arg6 : memref<32x1024xf32, #tpu.memory_space<vmem>>)
      tpu.yield
    }) : () -> ()
    %dma_start3A_36 = arith.constant 0 : i32
    %dma_start3A_37 = arith.constant 0 : i32
    %dma_start3A_38 = tpu.memref_slice %arg4[%dma_start3A_36, %dma_start3A_37] : memref<6144x1024xf32, #tpu.memory_space<hbm>> -> memref<6144x1024xf32, #tpu.memory_space<hbm>>
    tpu.enqueue_indirect_dma source(%arg6 : memref<32x1024xf32, #tpu.memory_space<vmem>>) target(%dma_start3A_38 : memref<6144x1024xf32, #tpu.memory_space<hbm>>) offsets(%arg5 : memref<32xi32, #tpu.memory_space<vmem>>) semaphore(%arg7 : memref<!tpu.dma_semaphore, #tpu.memory_space<semaphore_mem>>)
    %dma_wait3A_39 = arith.constant 0 : i32
    %dma_wait3A_40 = arith.constant 0 : i32
    %dma_wait3A_41 = tpu.memref_slice %arg4[%dma_wait3A_39, %dma_wait3A_40] : memref<6144x1024xf32, #tpu.memory_space<hbm>> -> memref<6144x1024xf32, #tpu.memory_space<hbm>>
    tpu.wait_indirect_dma semaphore(%arg7 : memref<!tpu.dma_semaphore, #tpu.memory_space<semaphore_mem>>) src(%arg6 : memref<32x1024xf32, #tpu.memory_space<vmem>>) dst(%dma_wait3A_41 : memref<6144x1024xf32, #tpu.memory_space<hbm>>)
    %add3A_42 = arith.constant 96 : i32
    %add3A_43 = arith.addi %mul3A_2, %add3A_42 : i32
    "tpu.region"() ({
      %run_scoped3A = tpu.sem_alloc : memref<!tpu.dma_semaphore, #tpu.memory_space<semaphore_mem>>
      %dma_start3A_52 = tpu.memref_slice %arg3[%add3A_43] : memref<4096xi32, #tpu.memory_space<hbm>> -> memref<32xi32, #tpu.memory_space<hbm>>
      %dma_start3A_53 = tpu.memref_slice %arg3[%add3A_43] : memref<4096xi32, #tpu.memory_space<hbm>> -> memref<32xi32, #tpu.memory_space<hbm>>
      tpu.enqueue_dma source(%dma_start3A_53 : memref<32xi32, #tpu.memory_space<hbm>>) target(%arg5 : memref<32xi32, #tpu.memory_space<vmem>>) target_semaphore(%run_scoped3A : memref<!tpu.dma_semaphore, #tpu.memory_space<semaphore_mem>>)
      %dma_wait3A_54 = tpu.memref_slice %arg3[%add3A_43] : memref<4096xi32, #tpu.memory_space<hbm>> -> memref<32xi32, #tpu.memory_space<hbm>>
      %dma_wait3A_55 = tpu.memref_slice %arg3[%add3A_43] : memref<4096xi32, #tpu.memory_space<hbm>> -> memref<32xi32, #tpu.memory_space<hbm>>
      tpu.wait_dma2 semaphore(%run_scoped3A : memref<!tpu.dma_semaphore, #tpu.memory_space<semaphore_mem>>) src(%dma_wait3A_55 : memref<32xi32, #tpu.memory_space<hbm>>) dst(%arg5 : memref<32xi32, #tpu.memory_space<vmem>>)
      tpu.yield
    }) : () -> ()
    %add3A_44 = arith.constant 96 : i32
    %add3A_45 = arith.addi %mul3A_13, %add3A_44 : i32
    "tpu.region"() ({
      %run_scoped3A = tpu.sem_alloc : memref<!tpu.dma_semaphore, #tpu.memory_space<semaphore_mem>>
      %dma_start3A_52 = arith.constant 0 : i32
      %dma_start3A_53 = tpu.memref_slice %arg2[%add3A_45, %dma_start3A_52] : memref<2048x1024xf32, #tpu.memory_space<hbm>> -> memref<32x1024xf32, #tpu.memory_space<hbm>>
      %dma_start3A_54 = arith.constant 0 : i32
      %dma_start3A_55 = tpu.memref_slice %arg2[%add3A_45, %dma_start3A_54] : memref<2048x1024xf32, #tpu.memory_space<hbm>> -> memref<32x1024xf32, #tpu.memory_space<hbm>>
      tpu.enqueue_dma source(%dma_start3A_55 : memref<32x1024xf32, #tpu.memory_space<hbm>>) target(%arg6 : memref<32x1024xf32, #tpu.memory_space<vmem>>) target_semaphore(%run_scoped3A : memref<!tpu.dma_semaphore, #tpu.memory_space<semaphore_mem>>)
      %dma_wait3A_56 = arith.constant 0 : i32
      %dma_wait3A_57 = tpu.memref_slice %arg2[%add3A_45, %dma_wait3A_56] : memref<2048x1024xf32, #tpu.memory_space<hbm>> -> memref<32x1024xf32, #tpu.memory_space<hbm>>
      %dma_wait3A_58 = arith.constant 0 : i32
      %dma_wait3A_59 = tpu.memref_slice %arg2[%add3A_45, %dma_wait3A_58] : memref<2048x1024xf32, #tpu.memory_space<hbm>> -> memref<32x1024xf32, #tpu.memory_space<hbm>>
      tpu.wait_dma2 semaphore(%run_scoped3A : memref<!tpu.dma_semaphore, #tpu.memory_space<semaphore_mem>>) src(%dma_wait3A_59 : memref<32x1024xf32, #tpu.memory_space<hbm>>) dst(%arg6 : memref<32x1024xf32, #tpu.memory_space<vmem>>)
      tpu.yield
    }) : () -> ()
    %dma_start3A_46 = arith.constant 0 : i32
    %dma_start3A_47 = arith.constant 0 : i32
    %dma_start3A_48 = tpu.memref_slice %arg4[%dma_start3A_46, %dma_start3A_47] : memref<6144x1024xf32, #tpu.memory_space<hbm>> -> memref<6144x1024xf32, #tpu.memory_space<hbm>>
    tpu.enqueue_indirect_dma source(%arg6 : memref<32x1024xf32, #tpu.memory_space<vmem>>) target(%dma_start3A_48 : memref<6144x1024xf32, #tpu.memory_space<hbm>>) offsets(%arg5 : memref<32xi32, #tpu.memory_space<vmem>>) semaphore(%arg7 : memref<!tpu.dma_semaphore, #tpu.memory_space<semaphore_mem>>)
    %dma_wait3A_49 = arith.constant 0 : i32
    %dma_wait3A_50 = arith.constant 0 : i32
    %dma_wait3A_51 = tpu.memref_slice %arg4[%dma_wait3A_49, %dma_wait3A_50] : memref<6144x1024xf32, #tpu.memory_space<hbm>> -> memref<6144x1024xf32, #tpu.memory_space<hbm>>
    tpu.wait_indirect_dma semaphore(%arg7 : memref<!tpu.dma_semaphore, #tpu.memory_space<semaphore_mem>>) src(%arg6 : memref<32x1024xf32, #tpu.memory_space<vmem>>) dst(%dma_wait3A_51 : memref<6144x1024xf32, #tpu.memory_space<hbm>>)
    return
  }
}

module attributes {stable_mosaic.version = 14 : i64} {
  func.func @_route_book_body(%arg0: memref<2048x8xf32, #tpu.memory_space<vmem>>, %arg1: memref<1x8xf32, #tpu.memory_space<vmem>>, %arg2: memref<2048x2xi32, #tpu.memory_space<vmem>>, %arg3: memref<2048x2xf32, #tpu.memory_space<vmem>>, %arg4: memref<1x32xi32, #tpu.memory_space<vmem>>) attributes {dimension_semantics = [], scalar_prefetch = 0 : i64, scratch_operands = 0 : i64, tpu.core_type = #tpu.core_type<tc>} {
    %get3A = arith.constant 0 : index
    %get3A_0 = arith.constant 0 : index
    %get3A_1 = vector.load %arg0[%get3A, %get3A_0] : memref<2048x8xf32, #tpu.memory_space<vmem>>, vector<2048x8xf32>
    %get3A_2 = arith.constant 0 : index
    %get3A_3 = arith.constant 0 : index
    %get3A_4 = vector.load %arg1[%get3A_2, %get3A_3] : memref<1x8xf32, #tpu.memory_space<vmem>>, vector<1x8xf32>
    %add3A = vector.broadcast %get3A_4 : vector<1x8xf32> to vector<2048x8xf32>
    %add3A_5 = arith.addf %get3A_1, %add3A : vector<2048x8xf32>
    %iota3A = tpu.iota {dimensions = array<i32: 1>} : vector<2048x8xi32>
    %slice3A = vector.extract_strided_slice %add3A_5 {offsets = [0, 1], sizes = [2048, 7], strides = [1, 1]} : vector<2048x8xf32> to vector<2048x7xf32>
    %slice3A_6 = vector.extract_strided_slice %add3A_5 {offsets = [0, 0], sizes = [2048, 1], strides = [1, 1]} : vector<2048x8xf32> to vector<2048x1xf32>
    %concatenate3A = tpu.concatenate %slice3A, %slice3A_6 in 1 : vector<2048x7xf32>, vector<2048x1xf32> -> vector<2048x8xf32>
    %slice3A_7 = vector.extract_strided_slice %add3A_5 {offsets = [0, 7], sizes = [2048, 1], strides = [1, 1]} : vector<2048x8xf32> to vector<2048x1xf32>
    %slice3A_8 = vector.extract_strided_slice %add3A_5 {offsets = [0, 0], sizes = [2048, 7], strides = [1, 1]} : vector<2048x8xf32> to vector<2048x7xf32>
    %concatenate3A_9 = tpu.concatenate %slice3A_7, %slice3A_8 in 1 : vector<2048x1xf32>, vector<2048x7xf32> -> vector<2048x8xf32>
    %jit3A = arith.constant 2 : i32
    %eq3A = arith.constant 0 : i32
    %eq3A_10 = arith.cmpi eq, %jit3A, %eq3A : i32
    %jit3A_11 = arith.constant 1 : i32
    %select_n3A = arith.select %eq3A_10, %jit3A_11, %jit3A : i32
    %rem3A = vector.broadcast %select_n3A : i32 to vector<2048x8xi32>
    %rem3A_12 = arith.remsi %iota3A, %rem3A : vector<2048x8xi32>
    %ne3A = arith.constant 0 : i32
    %ne3A_13 = vector.broadcast %ne3A : i32 to vector<2048x8xi32>
    %ne3A_14 = arith.cmpi ne, %rem3A_12, %ne3A_13 : vector<2048x8xi32>
    %lt3A = arith.constant 0 : i32
    %lt3A_15 = vector.broadcast %lt3A : i32 to vector<2048x8xi32>
    %lt3A_16 = arith.cmpi slt, %rem3A_12, %lt3A_15 : vector<2048x8xi32>
    %lt3A_17 = arith.constant 0 : i32
    %lt3A_18 = arith.cmpi slt, %select_n3A, %lt3A_17 : i32
    %ne3A_19 = vector.broadcast %lt3A_18 : i1 to vector<2048x8xi1>
    %ne3A_20 = vector.broadcast %ne3A_19 : vector<2048x8xi1> to vector<2048x8xi1>
    %ne3A_21 = arith.xori %lt3A_16, %ne3A_20 : vector<2048x8xi1>
    %and3A = arith.andi %ne3A_21, %ne3A_14 : vector<2048x8xi1>
    %add3A_22 = vector.broadcast %select_n3A : i32 to vector<2048x8xi32>
    %add3A_23 = arith.addi %rem3A_12, %add3A_22 : vector<2048x8xi32>
    %select_n3A_24 = arith.select %and3A, %add3A_23, %rem3A_12 : vector<2048x8xi1>, vector<2048x8xi32>
    %eq3A_25 = arith.constant 0 : i32
    %eq3A_26 = vector.broadcast %eq3A_25 : i32 to vector<2048x8xi32>
    %eq3A_27 = arith.cmpi eq, %select_n3A_24, %eq3A_26 : vector<2048x8xi32>
    %select_n3A_28 = arith.select %eq3A_27, %concatenate3A, %concatenate3A_9 : vector<2048x8xi1>, vector<2048x8xf32>
    %add3A_29 = arith.addf %add3A_5, %select_n3A_28 : vector<2048x8xf32>
    %reduce_max3A = arith.constant dense<0xFF800000> : vector<2048xf32>
    %reduce_max3A_30 = vector.multi_reduction <maximumf>, %add3A_29, %reduce_max3A [1] : vector<2048x8xf32> to vector<2048xf32>
    %broadcast_in_dim3A = vector.shape_cast %reduce_max3A_30 : vector<2048xf32> to vector<2048x1xf32>
    %eq3A_31 = vector.broadcast %broadcast_in_dim3A : vector<2048x1xf32> to vector<2048x8xf32>
    %eq3A_32 = arith.cmpf oeq, %add3A_29, %eq3A_31 : vector<2048x8xf32>
    %jit3A_33 = arith.constant 1000000000 : i32
    %broadcast_in_dim3A_34 = vector.broadcast %jit3A_33 : i32 to vector<2048x8xi32>
    %select_n3A_35 = arith.select %eq3A_32, %iota3A, %broadcast_in_dim3A_34 : vector<2048x8xi1>, vector<2048x8xi32>
    %reduce_min3A = arith.constant dense<2147483647> : vector<2048xi32>
    %reduce_min3A_36 = vector.multi_reduction <minsi>, %select_n3A_35, %reduce_min3A [1] : vector<2048x8xi32> to vector<2048xi32>
    %broadcast_in_dim3A_37 = vector.shape_cast %reduce_min3A_36 : vector<2048xi32> to vector<2048x1xi32>
    %jit3A_38 = arith.constant 2 : i32
    %div3A = vector.broadcast %jit3A_38 : i32 to vector<2048x1xi32>
    %div3A_39 = arith.divsi %broadcast_in_dim3A_37, %div3A : vector<2048x1xi32>
    %sign3A = arith.constant 0 : i32
    %sign3A_40 = vector.broadcast %sign3A : i32 to vector<2048x1xi32>
    %sign3A_41 = arith.cmpi sgt, %broadcast_in_dim3A_37, %sign3A_40 : vector<2048x1xi32>
    %sign3A_42 = arith.extui %sign3A_41 : vector<2048x1xi1> to vector<2048x1xi32>
    %sign3A_43 = arith.constant 0 : i32
    %sign3A_44 = vector.broadcast %sign3A_43 : i32 to vector<2048x1xi32>
    %sign3A_45 = arith.cmpi slt, %broadcast_in_dim3A_37, %sign3A_44 : vector<2048x1xi32>
    %sign3A_46 = arith.extui %sign3A_45 : vector<2048x1xi1> to vector<2048x1xi32>
    %sign3A_47 = arith.subi %sign3A_42, %sign3A_46 : vector<2048x1xi32>
    %sign3A_48 = arith.constant 0 : i32
    %sign3A_49 = arith.cmpi sgt, %jit3A_38, %sign3A_48 : i32
    %sign3A_50 = arith.extui %sign3A_49 : i1 to i32
    %sign3A_51 = arith.constant 0 : i32
    %sign3A_52 = arith.cmpi slt, %jit3A_38, %sign3A_51 : i32
    %sign3A_53 = arith.extui %sign3A_52 : i1 to i32
    %sign3A_54 = arith.subi %sign3A_50, %sign3A_53 : i32
    %ne3A_55 = vector.broadcast %sign3A_54 : i32 to vector<2048x1xi32>
    %ne3A_56 = arith.cmpi ne, %sign3A_47, %ne3A_55 : vector<2048x1xi32>
    %rem3A_57 = vector.broadcast %jit3A_38 : i32 to vector<2048x1xi32>
    %rem3A_58 = arith.remsi %broadcast_in_dim3A_37, %rem3A_57 : vector<2048x1xi32>
    %ne3A_59 = arith.constant 0 : i32
    %ne3A_60 = vector.broadcast %ne3A_59 : i32 to vector<2048x1xi32>
    %ne3A_61 = arith.cmpi ne, %rem3A_58, %ne3A_60 : vector<2048x1xi32>
    %and3A_62 = arith.andi %ne3A_56, %ne3A_61 : vector<2048x1xi1>
    %sub3A = arith.constant 1 : i32
    %sub3A_63 = vector.broadcast %sub3A : i32 to vector<2048x1xi32>
    %sub3A_64 = arith.subi %div3A_39, %sub3A_63 : vector<2048x1xi32>
    %select_n3A_65 = arith.select %and3A_62, %sub3A_64, %div3A_39 : vector<2048x1xi1>, vector<2048x1xi32>
    %jit3A_66 = arith.constant 2 : i32
    %div3A_67 = vector.broadcast %jit3A_66 : i32 to vector<2048x8xi32>
    %div3A_68 = arith.divsi %iota3A, %div3A_67 : vector<2048x8xi32>
    %sign3A_69 = arith.constant 0 : i32
    %sign3A_70 = vector.broadcast %sign3A_69 : i32 to vector<2048x8xi32>
    %sign3A_71 = arith.cmpi sgt, %iota3A, %sign3A_70 : vector<2048x8xi32>
    %sign3A_72 = arith.extui %sign3A_71 : vector<2048x8xi1> to vector<2048x8xi32>
    %sign3A_73 = arith.constant 0 : i32
    %sign3A_74 = vector.broadcast %sign3A_73 : i32 to vector<2048x8xi32>
    %sign3A_75 = arith.cmpi slt, %iota3A, %sign3A_74 : vector<2048x8xi32>
    %sign3A_76 = arith.extui %sign3A_75 : vector<2048x8xi1> to vector<2048x8xi32>
    %sign3A_77 = arith.subi %sign3A_72, %sign3A_76 : vector<2048x8xi32>
    %sign3A_78 = arith.constant 0 : i32
    %sign3A_79 = arith.cmpi sgt, %jit3A_66, %sign3A_78 : i32
    %sign3A_80 = arith.extui %sign3A_79 : i1 to i32
    %sign3A_81 = arith.constant 0 : i32
    %sign3A_82 = arith.cmpi slt, %jit3A_66, %sign3A_81 : i32
    %sign3A_83 = arith.extui %sign3A_82 : i1 to i32
    %sign3A_84 = arith.subi %sign3A_80, %sign3A_83 : i32
    %ne3A_85 = vector.broadcast %sign3A_84 : i32 to vector<2048x8xi32>
    %ne3A_86 = arith.cmpi ne, %sign3A_77, %ne3A_85 : vector<2048x8xi32>
    %rem3A_87 = vector.broadcast %jit3A_66 : i32 to vector<2048x8xi32>
    %rem3A_88 = arith.remsi %iota3A, %rem3A_87 : vector<2048x8xi32>
    %ne3A_89 = arith.constant 0 : i32
    %ne3A_90 = vector.broadcast %ne3A_89 : i32 to vector<2048x8xi32>
    %ne3A_91 = arith.cmpi ne, %rem3A_88, %ne3A_90 : vector<2048x8xi32>
    %and3A_92 = arith.andi %ne3A_86, %ne3A_91 : vector<2048x8xi1>
    %sub3A_93 = arith.constant 1 : i32
    %sub3A_94 = vector.broadcast %sub3A_93 : i32 to vector<2048x8xi32>
    %sub3A_95 = arith.subi %div3A_68, %sub3A_94 : vector<2048x8xi32>
    %select_n3A_96 = arith.select %and3A_92, %sub3A_95, %div3A_68 : vector<2048x8xi1>, vector<2048x8xi32>
    %eq3A_97 = vector.broadcast %select_n3A_65 : vector<2048x1xi32> to vector<2048x8xi32>
    %eq3A_98 = arith.cmpi eq, %select_n3A_96, %eq3A_97 : vector<2048x8xi32>
    %jit3A_99 = arith.constant -1.000000e+30 : f32
    %broadcast_in_dim3A_100 = vector.broadcast %jit3A_99 : f32 to vector<2048x8xf32>
    %select_n3A_101 = arith.select %eq3A_98, %broadcast_in_dim3A_100, %add3A_29 : vector<2048x8xi1>, vector<2048x8xf32>
    %reduce_max3A_102 = arith.constant dense<0xFF800000> : vector<2048xf32>
    %reduce_max3A_103 = vector.multi_reduction <maximumf>, %select_n3A_101, %reduce_max3A_102 [1] : vector<2048x8xf32> to vector<2048xf32>
    %broadcast_in_dim3A_104 = vector.shape_cast %reduce_max3A_103 : vector<2048xf32> to vector<2048x1xf32>
    %eq3A_105 = vector.broadcast %broadcast_in_dim3A_104 : vector<2048x1xf32> to vector<2048x8xf32>
    %eq3A_106 = arith.cmpf oeq, %select_n3A_101, %eq3A_105 : vector<2048x8xf32>
    %jit3A_107 = arith.constant 1000000000 : i32
    %broadcast_in_dim3A_108 = vector.broadcast %jit3A_107 : i32 to vector<2048x8xi32>
    %select_n3A_109 = arith.select %eq3A_106, %iota3A, %broadcast_in_dim3A_108 : vector<2048x8xi1>, vector<2048x8xi32>
    %reduce_min3A_110 = arith.constant dense<2147483647> : vector<2048xi32>
    %reduce_min3A_111 = vector.multi_reduction <minsi>, %select_n3A_109, %reduce_min3A_110 [1] : vector<2048x8xi32> to vector<2048xi32>
    %broadcast_in_dim3A_112 = vector.shape_cast %reduce_min3A_111 : vector<2048xi32> to vector<2048x1xi32>
    %jit3A_113 = arith.constant 2 : i32
    %div3A_114 = vector.broadcast %jit3A_113 : i32 to vector<2048x1xi32>
    %div3A_115 = arith.divsi %broadcast_in_dim3A_112, %div3A_114 : vector<2048x1xi32>
    %sign3A_116 = arith.constant 0 : i32
    %sign3A_117 = vector.broadcast %sign3A_116 : i32 to vector<2048x1xi32>
    %sign3A_118 = arith.cmpi sgt, %broadcast_in_dim3A_112, %sign3A_117 : vector<2048x1xi32>
    %sign3A_119 = arith.extui %sign3A_118 : vector<2048x1xi1> to vector<2048x1xi32>
    %sign3A_120 = arith.constant 0 : i32
    %sign3A_121 = vector.broadcast %sign3A_120 : i32 to vector<2048x1xi32>
    %sign3A_122 = arith.cmpi slt, %broadcast_in_dim3A_112, %sign3A_121 : vector<2048x1xi32>
    %sign3A_123 = arith.extui %sign3A_122 : vector<2048x1xi1> to vector<2048x1xi32>
    %sign3A_124 = arith.subi %sign3A_119, %sign3A_123 : vector<2048x1xi32>
    %sign3A_125 = arith.constant 0 : i32
    %sign3A_126 = arith.cmpi sgt, %jit3A_113, %sign3A_125 : i32
    %sign3A_127 = arith.extui %sign3A_126 : i1 to i32
    %sign3A_128 = arith.constant 0 : i32
    %sign3A_129 = arith.cmpi slt, %jit3A_113, %sign3A_128 : i32
    %sign3A_130 = arith.extui %sign3A_129 : i1 to i32
    %sign3A_131 = arith.subi %sign3A_127, %sign3A_130 : i32
    %ne3A_132 = vector.broadcast %sign3A_131 : i32 to vector<2048x1xi32>
    %ne3A_133 = arith.cmpi ne, %sign3A_124, %ne3A_132 : vector<2048x1xi32>
    %rem3A_134 = vector.broadcast %jit3A_113 : i32 to vector<2048x1xi32>
    %rem3A_135 = arith.remsi %broadcast_in_dim3A_112, %rem3A_134 : vector<2048x1xi32>
    %ne3A_136 = arith.constant 0 : i32
    %ne3A_137 = vector.broadcast %ne3A_136 : i32 to vector<2048x1xi32>
    %ne3A_138 = arith.cmpi ne, %rem3A_135, %ne3A_137 : vector<2048x1xi32>
    %and3A_139 = arith.andi %ne3A_133, %ne3A_138 : vector<2048x1xi1>
    %sub3A_140 = arith.constant 1 : i32
    %sub3A_141 = vector.broadcast %sub3A_140 : i32 to vector<2048x1xi32>
    %sub3A_142 = arith.subi %div3A_115, %sub3A_141 : vector<2048x1xi32>
    %select_n3A_143 = arith.select %and3A_139, %sub3A_142, %div3A_115 : vector<2048x1xi1>, vector<2048x1xi32>
    %jit3A_144 = arith.constant 2 : i32
    %div3A_145 = vector.broadcast %jit3A_144 : i32 to vector<2048x8xi32>
    %div3A_146 = arith.divsi %iota3A, %div3A_145 : vector<2048x8xi32>
    %sign3A_147 = arith.constant 0 : i32
    %sign3A_148 = vector.broadcast %sign3A_147 : i32 to vector<2048x8xi32>
    %sign3A_149 = arith.cmpi sgt, %iota3A, %sign3A_148 : vector<2048x8xi32>
    %sign3A_150 = arith.extui %sign3A_149 : vector<2048x8xi1> to vector<2048x8xi32>
    %sign3A_151 = arith.constant 0 : i32
    %sign3A_152 = vector.broadcast %sign3A_151 : i32 to vector<2048x8xi32>
    %sign3A_153 = arith.cmpi slt, %iota3A, %sign3A_152 : vector<2048x8xi32>
    %sign3A_154 = arith.extui %sign3A_153 : vector<2048x8xi1> to vector<2048x8xi32>
    %sign3A_155 = arith.subi %sign3A_150, %sign3A_154 : vector<2048x8xi32>
    %sign3A_156 = arith.constant 0 : i32
    %sign3A_157 = arith.cmpi sgt, %jit3A_144, %sign3A_156 : i32
    %sign3A_158 = arith.extui %sign3A_157 : i1 to i32
    %sign3A_159 = arith.constant 0 : i32
    %sign3A_160 = arith.cmpi slt, %jit3A_144, %sign3A_159 : i32
    %sign3A_161 = arith.extui %sign3A_160 : i1 to i32
    %sign3A_162 = arith.subi %sign3A_158, %sign3A_161 : i32
    %ne3A_163 = vector.broadcast %sign3A_162 : i32 to vector<2048x8xi32>
    %ne3A_164 = arith.cmpi ne, %sign3A_155, %ne3A_163 : vector<2048x8xi32>
    %rem3A_165 = vector.broadcast %jit3A_144 : i32 to vector<2048x8xi32>
    %rem3A_166 = arith.remsi %iota3A, %rem3A_165 : vector<2048x8xi32>
    %ne3A_167 = arith.constant 0 : i32
    %ne3A_168 = vector.broadcast %ne3A_167 : i32 to vector<2048x8xi32>
    %ne3A_169 = arith.cmpi ne, %rem3A_166, %ne3A_168 : vector<2048x8xi32>
    %and3A_170 = arith.andi %ne3A_164, %ne3A_169 : vector<2048x8xi1>
    %sub3A_171 = arith.constant 1 : i32
    %sub3A_172 = vector.broadcast %sub3A_171 : i32 to vector<2048x8xi32>
    %sub3A_173 = arith.subi %div3A_146, %sub3A_172 : vector<2048x8xi32>
    %select_n3A_174 = arith.select %and3A_170, %sub3A_173, %div3A_146 : vector<2048x8xi1>, vector<2048x8xi32>
    %eq3A_175 = vector.broadcast %select_n3A_65 : vector<2048x1xi32> to vector<2048x8xi32>
    %eq3A_176 = arith.cmpi eq, %select_n3A_174, %eq3A_175 : vector<2048x8xi32>
    %jit3A_177 = arith.constant 2 : i32
    %div3A_178 = vector.broadcast %jit3A_177 : i32 to vector<2048x8xi32>
    %div3A_179 = arith.divsi %iota3A, %div3A_178 : vector<2048x8xi32>
    %sign3A_180 = arith.constant 0 : i32
    %sign3A_181 = vector.broadcast %sign3A_180 : i32 to vector<2048x8xi32>
    %sign3A_182 = arith.cmpi sgt, %iota3A, %sign3A_181 : vector<2048x8xi32>
    %sign3A_183 = arith.extui %sign3A_182 : vector<2048x8xi1> to vector<2048x8xi32>
    %sign3A_184 = arith.constant 0 : i32
    %sign3A_185 = vector.broadcast %sign3A_184 : i32 to vector<2048x8xi32>
    %sign3A_186 = arith.cmpi slt, %iota3A, %sign3A_185 : vector<2048x8xi32>
    %sign3A_187 = arith.extui %sign3A_186 : vector<2048x8xi1> to vector<2048x8xi32>
    %sign3A_188 = arith.subi %sign3A_183, %sign3A_187 : vector<2048x8xi32>
    %sign3A_189 = arith.constant 0 : i32
    %sign3A_190 = arith.cmpi sgt, %jit3A_177, %sign3A_189 : i32
    %sign3A_191 = arith.extui %sign3A_190 : i1 to i32
    %sign3A_192 = arith.constant 0 : i32
    %sign3A_193 = arith.cmpi slt, %jit3A_177, %sign3A_192 : i32
    %sign3A_194 = arith.extui %sign3A_193 : i1 to i32
    %sign3A_195 = arith.subi %sign3A_191, %sign3A_194 : i32
    %ne3A_196 = vector.broadcast %sign3A_195 : i32 to vector<2048x8xi32>
    %ne3A_197 = arith.cmpi ne, %sign3A_188, %ne3A_196 : vector<2048x8xi32>
    %rem3A_198 = vector.broadcast %jit3A_177 : i32 to vector<2048x8xi32>
    %rem3A_199 = arith.remsi %iota3A, %rem3A_198 : vector<2048x8xi32>
    %ne3A_200 = arith.constant 0 : i32
    %ne3A_201 = vector.broadcast %ne3A_200 : i32 to vector<2048x8xi32>
    %ne3A_202 = arith.cmpi ne, %rem3A_199, %ne3A_201 : vector<2048x8xi32>
    %and3A_203 = arith.andi %ne3A_197, %ne3A_202 : vector<2048x8xi1>
    %sub3A_204 = arith.constant 1 : i32
    %sub3A_205 = vector.broadcast %sub3A_204 : i32 to vector<2048x8xi32>
    %sub3A_206 = arith.subi %div3A_179, %sub3A_205 : vector<2048x8xi32>
    %select_n3A_207 = arith.select %and3A_203, %sub3A_206, %div3A_179 : vector<2048x8xi1>, vector<2048x8xi32>
    %eq3A_208 = vector.broadcast %select_n3A_143 : vector<2048x1xi32> to vector<2048x8xi32>
    %eq3A_209 = arith.cmpi eq, %select_n3A_207, %eq3A_208 : vector<2048x8xi32>
    %or3A = arith.ori %eq3A_176, %eq3A_209 : vector<2048x8xi1>
    %jit3A_210 = arith.constant -1.000000e+30 : f32
    %broadcast_in_dim3A_211 = vector.broadcast %jit3A_210 : f32 to vector<2048x8xf32>
    %select_n3A_212 = arith.select %or3A, %add3A_5, %broadcast_in_dim3A_211 : vector<2048x8xi1>, vector<2048x8xf32>
    %reduce_max3A_213 = arith.constant dense<0xFF800000> : vector<2048xf32>
    %reduce_max3A_214 = vector.multi_reduction <maximumf>, %select_n3A_212, %reduce_max3A_213 [1] : vector<2048x8xf32> to vector<2048xf32>
    %broadcast_in_dim3A_215 = vector.shape_cast %reduce_max3A_214 : vector<2048xf32> to vector<2048x1xf32>
    %eq3A_216 = vector.broadcast %broadcast_in_dim3A_215 : vector<2048x1xf32> to vector<2048x8xf32>
    %eq3A_217 = arith.cmpf oeq, %select_n3A_212, %eq3A_216 : vector<2048x8xf32>
    %jit3A_218 = arith.constant 1000000000 : i32
    %broadcast_in_dim3A_219 = vector.broadcast %jit3A_218 : i32 to vector<2048x8xi32>
    %select_n3A_220 = arith.select %eq3A_217, %iota3A, %broadcast_in_dim3A_219 : vector<2048x8xi1>, vector<2048x8xi32>
    %reduce_min3A_221 = arith.constant dense<2147483647> : vector<2048xi32>
    %reduce_min3A_222 = vector.multi_reduction <minsi>, %select_n3A_220, %reduce_min3A_221 [1] : vector<2048x8xi32> to vector<2048xi32>
    %broadcast_in_dim3A_223 = vector.shape_cast %reduce_min3A_222 : vector<2048xi32> to vector<2048x1xi32>
    %eq3A_224 = vector.broadcast %broadcast_in_dim3A_223 : vector<2048x1xi32> to vector<2048x8xi32>
    %eq3A_225 = arith.cmpi eq, %iota3A, %eq3A_224 : vector<2048x8xi32>
    %jit3A_226 = arith.constant -1.000000e+30 : f32
    %broadcast_in_dim3A_227 = vector.broadcast %jit3A_226 : f32 to vector<2048x8xf32>
    %select_n3A_228 = arith.select %eq3A_225, %broadcast_in_dim3A_227, %select_n3A_212 : vector<2048x8xi1>, vector<2048x8xf32>
    %reduce_max3A_229 = arith.constant dense<0xFF800000> : vector<2048xf32>
    %reduce_max3A_230 = vector.multi_reduction <maximumf>, %select_n3A_228, %reduce_max3A_229 [1] : vector<2048x8xf32> to vector<2048xf32>
    %broadcast_in_dim3A_231 = vector.shape_cast %reduce_max3A_230 : vector<2048xf32> to vector<2048x1xf32>
    %eq3A_232 = vector.broadcast %broadcast_in_dim3A_231 : vector<2048x1xf32> to vector<2048x8xf32>
    %eq3A_233 = arith.cmpf oeq, %select_n3A_228, %eq3A_232 : vector<2048x8xf32>
    %jit3A_234 = arith.constant 1000000000 : i32
    %broadcast_in_dim3A_235 = vector.broadcast %jit3A_234 : i32 to vector<2048x8xi32>
    %select_n3A_236 = arith.select %eq3A_233, %iota3A, %broadcast_in_dim3A_235 : vector<2048x8xi1>, vector<2048x8xi32>
    %reduce_min3A_237 = arith.constant dense<2147483647> : vector<2048xi32>
    %reduce_min3A_238 = vector.multi_reduction <minsi>, %select_n3A_236, %reduce_min3A_237 [1] : vector<2048x8xi32> to vector<2048xi32>
    %broadcast_in_dim3A_239 = vector.shape_cast %reduce_min3A_238 : vector<2048xi32> to vector<2048x1xi32>
    %eq3A_240 = vector.broadcast %broadcast_in_dim3A_223 : vector<2048x1xi32> to vector<2048x8xi32>
    %eq3A_241 = arith.cmpi eq, %iota3A, %eq3A_240 : vector<2048x8xi32>
    %jit3A_242 = arith.constant 0.000000e+00 : f32
    %broadcast_in_dim3A_243 = vector.broadcast %jit3A_242 : f32 to vector<2048x8xf32>
    %select_n3A_244 = arith.select %eq3A_241, %get3A_1, %broadcast_in_dim3A_243 : vector<2048x8xi1>, vector<2048x8xf32>
    %reduce_sum3A = arith.constant dense<0.000000e+00> : vector<2048xf32>
    %reduce_sum3A_245 = vector.multi_reduction <add>, %select_n3A_244, %reduce_sum3A [1] : vector<2048x8xf32> to vector<2048xf32>
    %broadcast_in_dim3A_246 = vector.shape_cast %reduce_sum3A_245 : vector<2048xf32> to vector<2048x1xf32>
    %eq3A_247 = vector.broadcast %broadcast_in_dim3A_239 : vector<2048x1xi32> to vector<2048x8xi32>
    %eq3A_248 = arith.cmpi eq, %iota3A, %eq3A_247 : vector<2048x8xi32>
    %jit3A_249 = arith.constant 0.000000e+00 : f32
    %broadcast_in_dim3A_250 = vector.broadcast %jit3A_249 : f32 to vector<2048x8xf32>
    %select_n3A_251 = arith.select %eq3A_248, %get3A_1, %broadcast_in_dim3A_250 : vector<2048x8xi1>, vector<2048x8xf32>
    %reduce_sum3A_252 = arith.constant dense<0.000000e+00> : vector<2048xf32>
    %reduce_sum3A_253 = vector.multi_reduction <add>, %select_n3A_251, %reduce_sum3A_252 [1] : vector<2048x8xf32> to vector<2048xf32>
    %broadcast_in_dim3A_254 = vector.shape_cast %reduce_sum3A_253 : vector<2048xf32> to vector<2048x1xf32>
    %add3A_255 = arith.addf %broadcast_in_dim3A_246, %broadcast_in_dim3A_254 : vector<2048x1xf32>
    %add3A_256 = arith.constant 9.99999968E-21 : f32
    %add3A_257 = vector.broadcast %add3A_256 : f32 to vector<2048x1xf32>
    %add3A_258 = arith.addf %add3A_255, %add3A_257 : vector<2048x1xf32>
    %div3A_259 = arith.divf %broadcast_in_dim3A_246, %add3A_258 : vector<2048x1xf32>
    %div3A_260 = arith.divf %broadcast_in_dim3A_254, %add3A_258 : vector<2048x1xf32>
    %min3A = arith.minsi %broadcast_in_dim3A_223, %broadcast_in_dim3A_239 : vector<2048x1xi32>
    %max3A = arith.maxsi %broadcast_in_dim3A_223, %broadcast_in_dim3A_239 : vector<2048x1xi32>
    %lt3A_261 = arith.cmpi slt, %broadcast_in_dim3A_223, %broadcast_in_dim3A_239 : vector<2048x1xi32>
    %select_n3A_262 = arith.select %lt3A_261, %div3A_259, %div3A_260 : vector<2048x1xi1>, vector<2048x1xf32>
    %lt3A_263 = arith.cmpi slt, %broadcast_in_dim3A_223, %broadcast_in_dim3A_239 : vector<2048x1xi32>
    %select_n3A_264 = arith.select %lt3A_263, %div3A_260, %div3A_259 : vector<2048x1xi1>, vector<2048x1xf32>
    %eq3A_265 = vector.broadcast %min3A : vector<2048x1xi32> to vector<2048x8xi32>
    %eq3A_266 = arith.cmpi eq, %iota3A, %eq3A_265 : vector<2048x8xi32>
    %eq3A_267 = vector.broadcast %max3A : vector<2048x1xi32> to vector<2048x8xi32>
    %eq3A_268 = arith.cmpi eq, %iota3A, %eq3A_267 : vector<2048x8xi32>
    %or3A_269 = arith.ori %eq3A_266, %eq3A_268 : vector<2048x8xi1>
    %convert_element_type3A = arith.extui %or3A_269 : vector<2048x8xi1> to vector<2048x8xi32>
    %convert_element_type3A_270 = arith.sitofp %convert_element_type3A : vector<2048x8xi32> to vector<2048x8xf32>
    %convert_element_type3A_271 = arith.truncf %convert_element_type3A_270 : vector<2048x8xf32> to vector<2048x8xbf16>
    %iota3A_272 = tpu.iota {dimensions = array<i32: 0>} : vector<2048x2048xi32>
    %iota3A_273 = tpu.iota {dimensions = array<i32: 1>} : vector<2048x2048xi32>
    %lt3A_274 = arith.cmpi slt, %iota3A_273, %iota3A_272 : vector<2048x2048xi32>
    %convert_element_type3A_275 = arith.extui %lt3A_274 : vector<2048x2048xi1> to vector<2048x2048xi32>
    %convert_element_type3A_276 = arith.sitofp %convert_element_type3A_275 : vector<2048x2048xi32> to vector<2048x2048xf32>
    %convert_element_type3A_277 = arith.truncf %convert_element_type3A_276 : vector<2048x2048xf32> to vector<2048x2048xbf16>
    %dot_general3A = arith.constant dense<0.000000e+00> : vector<2048x8xf32>
    %dot_general3A_278 = tpu.matmul %convert_element_type3A_277, %convert_element_type3A_271, %dot_general3A {dimension_numbers = #tpu.dot_dimension_numbers<[1], [0], [0], [1], [0, 0, 1, 1], [], []>, transpose_lhs_hint = false} : vector<2048x2048xbf16>, vector<2048x8xbf16>, vector<2048x8xf32> -> vector<2048x8xf32>
    %convert_element_type3A_279 = arith.extui %or3A_269 : vector<2048x8xi1> to vector<2048x8xi32>
    %convert_element_type3A_280 = arith.sitofp %convert_element_type3A_279 : vector<2048x8xi32> to vector<2048x8xf32>
    %reduce_sum3A_281 = arith.constant dense<0.000000e+00> : vector<8xf32>
    %reduce_sum3A_282 = vector.multi_reduction <add>, %convert_element_type3A_280, %reduce_sum3A_281 [0] : vector<2048x8xf32> to vector<8xf32>
    %broadcast_in_dim3A_283 = vector.shape_cast %reduce_sum3A_282 : vector<8xf32> to vector<1x8xf32>
    %convert_element_type3A_284 = arith.fptosi %broadcast_in_dim3A_283 : vector<1x8xf32> to vector<1x8xi32>
    %add3A_285 = arith.constant 255 : i32
    %add3A_286 = vector.broadcast %add3A_285 : i32 to vector<1x8xi32>
    %add3A_287 = arith.addi %convert_element_type3A_284, %add3A_286 : vector<1x8xi32>
    %jit3A_288 = arith.constant 256 : i32
    %div3A_289 = vector.broadcast %jit3A_288 : i32 to vector<1x8xi32>
    %div3A_290 = arith.divsi %add3A_287, %div3A_289 : vector<1x8xi32>
    %sign3A_291 = arith.constant 0 : i32
    %sign3A_292 = vector.broadcast %sign3A_291 : i32 to vector<1x8xi32>
    %sign3A_293 = arith.cmpi sgt, %add3A_287, %sign3A_292 : vector<1x8xi32>
    %sign3A_294 = arith.extui %sign3A_293 : vector<1x8xi1> to vector<1x8xi32>
    %sign3A_295 = arith.constant 0 : i32
    %sign3A_296 = vector.broadcast %sign3A_295 : i32 to vector<1x8xi32>
    %sign3A_297 = arith.cmpi slt, %add3A_287, %sign3A_296 : vector<1x8xi32>
    %sign3A_298 = arith.extui %sign3A_297 : vector<1x8xi1> to vector<1x8xi32>
    %sign3A_299 = arith.subi %sign3A_294, %sign3A_298 : vector<1x8xi32>
    %sign3A_300 = arith.constant 0 : i32
    %sign3A_301 = arith.cmpi sgt, %jit3A_288, %sign3A_300 : i32
    %sign3A_302 = arith.extui %sign3A_301 : i1 to i32
    %sign3A_303 = arith.constant 0 : i32
    %sign3A_304 = arith.cmpi slt, %jit3A_288, %sign3A_303 : i32
    %sign3A_305 = arith.extui %sign3A_304 : i1 to i32
    %sign3A_306 = arith.subi %sign3A_302, %sign3A_305 : i32
    %ne3A_307 = vector.broadcast %sign3A_306 : i32 to vector<1x8xi32>
    %ne3A_308 = arith.cmpi ne, %sign3A_299, %ne3A_307 : vector<1x8xi32>
    %rem3A_309 = vector.broadcast %jit3A_288 : i32 to vector<1x8xi32>
    %rem3A_310 = arith.remsi %add3A_287, %rem3A_309 : vector<1x8xi32>
    %ne3A_311 = arith.constant 0 : i32
    %ne3A_312 = vector.broadcast %ne3A_311 : i32 to vector<1x8xi32>
    %ne3A_313 = arith.cmpi ne, %rem3A_310, %ne3A_312 : vector<1x8xi32>
    %and3A_314 = arith.andi %ne3A_308, %ne3A_313 : vector<1x8xi1>
    %sub3A_315 = arith.constant 1 : i32
    %sub3A_316 = vector.broadcast %sub3A_315 : i32 to vector<1x8xi32>
    %sub3A_317 = arith.subi %div3A_290, %sub3A_316 : vector<1x8xi32>
    %select_n3A_318 = arith.select %and3A_314, %sub3A_317, %div3A_290 : vector<1x8xi1>, vector<1x8xi32>
    %mul3A = arith.constant 256 : i32
    %mul3A_319 = vector.broadcast %mul3A : i32 to vector<1x8xi32>
    %mul3A_320 = arith.muli %select_n3A_318, %mul3A_319 : vector<1x8xi32>
    %broadcast_in_dim3A_321 = arith.constant 0 : i32
    %broadcast_in_dim3A_322 = vector.broadcast %broadcast_in_dim3A_321 : i32 to vector<1x1xi32>
    %slice3A_323 = vector.extract_strided_slice %mul3A_320 {offsets = [0, 0], sizes = [1, 7], strides = [1, 1]} : vector<1x8xi32> to vector<1x7xi32>
    %concatenate3A_324 = tpu.concatenate %broadcast_in_dim3A_322, %slice3A_323 in 1 : vector<1x1xi32>, vector<1x7xi32> -> vector<1x8xi32>
    %add3A_325 = arith.addi %mul3A_320, %concatenate3A_324 : vector<1x8xi32>
    %broadcast_in_dim3A_326 = arith.constant 0 : i32
    %broadcast_in_dim3A_327 = vector.broadcast %broadcast_in_dim3A_326 : i32 to vector<1x2xi32>
    %slice3A_328 = vector.extract_strided_slice %add3A_325 {offsets = [0, 0], sizes = [1, 6], strides = [1, 1]} : vector<1x8xi32> to vector<1x6xi32>
    %concatenate3A_329 = tpu.concatenate %broadcast_in_dim3A_327, %slice3A_328 in 1 : vector<1x2xi32>, vector<1x6xi32> -> vector<1x8xi32>
    %add3A_330 = arith.addi %add3A_325, %concatenate3A_329 : vector<1x8xi32>
    %broadcast_in_dim3A_331 = arith.constant 0 : i32
    %broadcast_in_dim3A_332 = vector.broadcast %broadcast_in_dim3A_331 : i32 to vector<1x4xi32>
    %slice3A_333 = vector.extract_strided_slice %add3A_330 {offsets = [0, 0], sizes = [1, 4], strides = [1, 1]} : vector<1x8xi32> to vector<1x4xi32>
    %concatenate3A_334 = tpu.concatenate %broadcast_in_dim3A_332, %slice3A_333 in 1 : vector<1x4xi32>, vector<1x4xi32> -> vector<1x8xi32>
    %add3A_335 = arith.addi %add3A_330, %concatenate3A_334 : vector<1x8xi32>
    %sub3A_336 = arith.subi %add3A_335, %mul3A_320 : vector<1x8xi32>
    %convert_element_type3A_337 = arith.fptosi %dot_general3A_278 : vector<2048x8xf32> to vector<2048x8xi32>
    %add3A_338 = vector.broadcast %sub3A_336 : vector<1x8xi32> to vector<2048x8xi32>
    %add3A_339 = arith.addi %convert_element_type3A_337, %add3A_338 : vector<2048x8xi32>
    %eq3A_340 = vector.broadcast %min3A : vector<2048x1xi32> to vector<2048x8xi32>
    %eq3A_341 = arith.cmpi eq, %iota3A, %eq3A_340 : vector<2048x8xi32>
    %jit3A_342 = arith.constant 0 : i32
    %broadcast_in_dim3A_343 = vector.broadcast %jit3A_342 : i32 to vector<2048x8xi32>
    %select_n3A_344 = arith.select %eq3A_341, %add3A_339, %broadcast_in_dim3A_343 : vector<2048x8xi1>, vector<2048x8xi32>
    %reduce_sum3A_345 = arith.constant dense<0> : vector<2048xi32>
    %reduce_sum3A_346 = vector.multi_reduction <add>, %select_n3A_344, %reduce_sum3A_345 [1] : vector<2048x8xi32> to vector<2048xi32>
    %broadcast_in_dim3A_347 = vector.shape_cast %reduce_sum3A_346 : vector<2048xi32> to vector<2048x1xi32>
    %eq3A_348 = vector.broadcast %max3A : vector<2048x1xi32> to vector<2048x8xi32>
    %eq3A_349 = arith.cmpi eq, %iota3A, %eq3A_348 : vector<2048x8xi32>
    %jit3A_350 = arith.constant 0 : i32
    %broadcast_in_dim3A_351 = vector.broadcast %jit3A_350 : i32 to vector<2048x8xi32>
    %select_n3A_352 = arith.select %eq3A_349, %add3A_339, %broadcast_in_dim3A_351 : vector<2048x8xi1>, vector<2048x8xi32>
    %reduce_sum3A_353 = arith.constant dense<0> : vector<2048xi32>
    %reduce_sum3A_354 = vector.multi_reduction <add>, %select_n3A_352, %reduce_sum3A_353 [1] : vector<2048x8xi32> to vector<2048xi32>
    %broadcast_in_dim3A_355 = vector.shape_cast %reduce_sum3A_354 : vector<2048xi32> to vector<2048x1xi32>
    %concatenate3A_356 = tpu.concatenate %broadcast_in_dim3A_347, %broadcast_in_dim3A_355 in 1 : vector<2048x1xi32>, vector<2048x1xi32> -> vector<2048x2xi32>
    %swap3A = arith.constant 0 : index
    %swap3A_357 = arith.constant 0 : index
    %swap3A_358 = vector.load %arg2[%swap3A, %swap3A_357] : memref<2048x2xi32, #tpu.memory_space<vmem>>, vector<2048x2xi32>
    tpu.vector_store %arg2[%swap3A, %swap3A_357], %concatenate3A_356 {strides = array<i32>} : memref<2048x2xi32, #tpu.memory_space<vmem>>, vector<2048x2xi32>,
    %concatenate3A_359 = tpu.concatenate %select_n3A_262, %select_n3A_264 in 1 : vector<2048x1xf32>, vector<2048x1xf32> -> vector<2048x2xf32>
    %swap3A_360 = arith.constant 0 : index
    %swap3A_361 = arith.constant 0 : index
    %swap3A_362 = vector.load %arg3[%swap3A_360, %swap3A_361] : memref<2048x2xf32, #tpu.memory_space<vmem>>, vector<2048x2xf32>
    tpu.vector_store %arg3[%swap3A_360, %swap3A_361], %concatenate3A_359 {strides = array<i32>} : memref<2048x2xf32, #tpu.memory_space<vmem>>, vector<2048x2xf32>,
    %broadcast_in_dim3A_363 = arith.constant 0 : i32
    %broadcast_in_dim3A_364 = vector.broadcast %broadcast_in_dim3A_363 : i32 to vector<1x8xi32>
    %concatenate3A_365 = tpu.concatenate %sub3A_336, %add3A_335, %convert_element_type3A_284, %broadcast_in_dim3A_364 in 1 : vector<1x8xi32>, vector<1x8xi32>, vector<1x8xi32>, vector<1x8xi32> -> vector<1x32xi32>
    %swap3A_366 = arith.constant 0 : index
    %swap3A_367 = arith.constant 0 : index
    %swap3A_368 = vector.load %arg4[%swap3A_366, %swap3A_367] : memref<1x32xi32, #tpu.memory_space<vmem>>, vector<1x32xi32>
    tpu.vector_store %arg4[%swap3A_366, %swap3A_367], %concatenate3A_365 {strides = array<i32>} : memref<1x32xi32, #tpu.memory_space<vmem>>, vector<1x32xi32>,
    return
  }
}

module attributes {stable_mosaic.version = 14 : i64} {
  func.func @_gmm_body(%arg0: i32, %arg1: memref<16xi32, #tpu.memory_space<smem>>, %arg2: memref<256x1024xf32, #tpu.memory_space<vmem>>, %arg3: memref<1x2048x1024xbf16, #tpu.memory_space<vmem>>, %arg4: memref<1x1024x1024xbf16, #tpu.memory_space<vmem>>, %arg5: memref<256x1024xf32, #tpu.memory_space<vmem>>) attributes {dimension_semantics = [#tpu.dimension_semantics<arbitrary>], iteration_bounds = array<i64: 24>, scalar_prefetch = 1 : i64, scratch_operands = 0 : i64, tpu.core_type = #tpu.core_type<tc>, window_params = [{transform_indices = @transform_0, window_bounds = array<i64: 256, 1024>}, {transform_indices = @transform_1, window_bounds = array<i64: 1, 2048, 1024>}, {transform_indices = @transform_2, window_bounds = array<i64: 1, 1024, 1024>}, {transform_indices = @transform_3, window_bounds = array<i64: 256, 1024>}]} {
    %get3A = arith.constant 15 : index
    %get3A_0 = memref.load %arg1[%get3A] : memref<16xi32, #tpu.memory_space<smem>>
    %mul3A = arith.constant 256 : i32
    %mul3A_1 = arith.muli %arg0, %mul3A : i32
    %lt3A = arith.cmpi slt, %mul3A_1, %get3A_0 : i32
    %convert_element_type3A = arith.extui %lt3A : i1 to i32
    %cond3A = arith.constant 0 : i32
    %cond3A_2 = arith.cmpi ne, %convert_element_type3A, %cond3A : i32
    scf.if %cond3A_2 {
      %get3A_3 = arith.constant 0 : index
      %get3A_4 = arith.constant 0 : index
      %get3A_5 = vector.load %arg2[%get3A_3, %get3A_4] : memref<256x1024xf32, #tpu.memory_space<vmem>>, vector<256x1024xf32>
      %convert_element_type3A_6 = arith.truncf %get3A_5 : vector<256x1024xf32> to vector<256x1024xbf16>
      %get3A_7 = arith.constant 0 : index
      %get3A_8 = arith.constant 0 : index
      %get3A_9 = arith.constant 0 : index
      %get3A_10 = vector.load %arg3[%get3A_7, %get3A_8, %get3A_9] : memref<1x2048x1024xbf16, #tpu.memory_space<vmem>>, vector<1x2048x1024xbf16>
      %get3A_11 = vector.shape_cast %get3A_10 : vector<1x2048x1024xbf16> to vector<2048x1024xbf16>
      %dot_general3A = arith.constant dense<0.000000e+00> : vector<256x2048xf32>
      %dot_general3A_12 = tpu.matmul %convert_element_type3A_6, %get3A_11, %dot_general3A {dimension_numbers = #tpu.dot_dimension_numbers<[1], [1], [0], [0], [0, 0, 1, 0], [], []>, transpose_lhs_hint = false} : vector<256x1024xbf16>, vector<2048x1024xbf16>, vector<256x2048xf32> -> vector<256x2048xf32>
      %slice3A = vector.extract_strided_slice %dot_general3A_12 {offsets = [0, 0], sizes = [256, 1024], strides = [1, 1]} : vector<256x2048xf32> to vector<256x1024xf32>
      %slice3A_13 = vector.extract_strided_slice %dot_general3A_12 {offsets = [0, 1024], sizes = [256, 1024], strides = [1, 1]} : vector<256x2048xf32> to vector<256x1024xf32>
      %logistic3A = arith.negf %slice3A : vector<256x1024xf32>
      %logistic3A_14 = math.exp %logistic3A : vector<256x1024xf32>
      %logistic3A_15 = arith.constant 1.000000e+00 : f32
      %logistic3A_16 = vector.broadcast %logistic3A_15 : f32 to vector<256x1024xf32>
      %logistic3A_17 = arith.addf %logistic3A_16, %logistic3A_14 : vector<256x1024xf32>
      %logistic3A_18 = arith.divf %logistic3A_16, %logistic3A_17 : vector<256x1024xf32>
      %mul3A_19 = arith.mulf %slice3A, %logistic3A_18 : vector<256x1024xf32>
      %mul3A_20 = arith.mulf %mul3A_19, %slice3A_13 : vector<256x1024xf32>
      %convert_element_type3A_21 = arith.truncf %mul3A_20 : vector<256x1024xf32> to vector<256x1024xbf16>
      %get3A_22 = arith.constant 0 : index
      %get3A_23 = arith.constant 0 : index
      %get3A_24 = arith.constant 0 : index
      %get3A_25 = vector.load %arg4[%get3A_22, %get3A_23, %get3A_24] : memref<1x1024x1024xbf16, #tpu.memory_space<vmem>>, vector<1x1024x1024xbf16>
      %get3A_26 = vector.shape_cast %get3A_25 : vector<1x1024x1024xbf16> to vector<1024x1024xbf16>
      %dot_general3A_27 = arith.constant dense<0.000000e+00> : vector<256x1024xf32>
      %dot_general3A_28 = tpu.matmul %convert_element_type3A_21, %get3A_26, %dot_general3A_27 {dimension_numbers = #tpu.dot_dimension_numbers<[1], [1], [0], [0], [0, 0, 1, 0], [], []>, transpose_lhs_hint = false} : vector<256x1024xbf16>, vector<1024x1024xbf16>, vector<256x1024xf32> -> vector<256x1024xf32>
      %swap3A = arith.constant 0 : index
      %swap3A_29 = arith.constant 0 : index
      %swap3A_30 = vector.load %arg5[%swap3A, %swap3A_29] : memref<256x1024xf32, #tpu.memory_space<vmem>>, vector<256x1024xf32>
      tpu.vector_store %arg5[%swap3A, %swap3A_29], %dot_general3A_28 {strides = array<i32>} : memref<256x1024xf32, #tpu.memory_space<vmem>>, vector<256x1024xf32>,
    } else {
    }
    return
  }
  func.func @transform_0(%arg0: i32, %arg1: memref<16xi32, #tpu.memory_space<smem>>) -> (i32, i32) {
    %c0_i32 = arith.constant 0 : i32
    %c0_i32_0 = arith.constant 0 : i32
    return %arg0, %c0_i32 : i32, i32
  }
  func.func @transform_1(%arg0: i32, %arg1: memref<16xi32, #tpu.memory_space<smem>>) -> (i32, i32, i32) {
    %mul3A = arith.constant 256 : i32
    %mul3A_0 = arith.muli %arg0, %mul3A : i32
    %get3A = arith.constant 8 : index
    %get3A_1 = memref.load %arg1[%get3A] : memref<16xi32, #tpu.memory_space<smem>>
    %ge3A = arith.cmpi sge, %mul3A_0, %get3A_1 : i32
    %jit3A = arith.constant 1 : i32
    %jit3A_2 = arith.constant 0 : i32
    %select_n3A = arith.select %ge3A, %jit3A, %jit3A_2 : i32
    %add3A = arith.constant 0 : i32
    %add3A_3 = arith.addi %add3A, %select_n3A : i32
    %mul3A_4 = arith.constant 256 : i32
    %mul3A_5 = arith.muli %arg0, %mul3A_4 : i32
    %get3A_6 = arith.constant 9 : index
    %get3A_7 = memref.load %arg1[%get3A_6] : memref<16xi32, #tpu.memory_space<smem>>
    %ge3A_8 = arith.cmpi sge, %mul3A_5, %get3A_7 : i32
    %jit3A_9 = arith.constant 1 : i32
    %jit3A_10 = arith.constant 0 : i32
    %select_n3A_11 = arith.select %ge3A_8, %jit3A_9, %jit3A_10 : i32
    %add3A_12 = arith.addi %add3A_3, %select_n3A_11 : i32
    %mul3A_13 = arith.constant 256 : i32
    %mul3A_14 = arith.muli %arg0, %mul3A_13 : i32
    %get3A_15 = arith.constant 10 : index
    %get3A_16 = memref.load %arg1[%get3A_15] : memref<16xi32, #tpu.memory_space<smem>>
    %ge3A_17 = arith.cmpi sge, %mul3A_14, %get3A_16 : i32
    %jit3A_18 = arith.constant 1 : i32
    %jit3A_19 = arith.constant 0 : i32
    %select_n3A_20 = arith.select %ge3A_17, %jit3A_18, %jit3A_19 : i32
    %add3A_21 = arith.addi %add3A_12, %select_n3A_20 : i32
    %mul3A_22 = arith.constant 256 : i32
    %mul3A_23 = arith.muli %arg0, %mul3A_22 : i32
    %get3A_24 = arith.constant 11 : index
    %get3A_25 = memref.load %arg1[%get3A_24] : memref<16xi32, #tpu.memory_space<smem>>
    %ge3A_26 = arith.cmpi sge, %mul3A_23, %get3A_25 : i32
    %jit3A_27 = arith.constant 1 : i32
    %jit3A_28 = arith.constant 0 : i32
    %select_n3A_29 = arith.select %ge3A_26, %jit3A_27, %jit3A_28 : i32
    %add3A_30 = arith.addi %add3A_21, %select_n3A_29 : i32
    %mul3A_31 = arith.constant 256 : i32
    %mul3A_32 = arith.muli %arg0, %mul3A_31 : i32
    %get3A_33 = arith.constant 12 : index
    %get3A_34 = memref.load %arg1[%get3A_33] : memref<16xi32, #tpu.memory_space<smem>>
    %ge3A_35 = arith.cmpi sge, %mul3A_32, %get3A_34 : i32
    %jit3A_36 = arith.constant 1 : i32
    %jit3A_37 = arith.constant 0 : i32
    %select_n3A_38 = arith.select %ge3A_35, %jit3A_36, %jit3A_37 : i32
    %add3A_39 = arith.addi %add3A_30, %select_n3A_38 : i32
    %mul3A_40 = arith.constant 256 : i32
    %mul3A_41 = arith.muli %arg0, %mul3A_40 : i32
    %get3A_42 = arith.constant 13 : index
    %get3A_43 = memref.load %arg1[%get3A_42] : memref<16xi32, #tpu.memory_space<smem>>
    %ge3A_44 = arith.cmpi sge, %mul3A_41, %get3A_43 : i32
    %jit3A_45 = arith.constant 1 : i32
    %jit3A_46 = arith.constant 0 : i32
    %select_n3A_47 = arith.select %ge3A_44, %jit3A_45, %jit3A_46 : i32
    %add3A_48 = arith.addi %add3A_39, %select_n3A_47 : i32
    %mul3A_49 = arith.constant 256 : i32
    %mul3A_50 = arith.muli %arg0, %mul3A_49 : i32
    %get3A_51 = arith.constant 14 : index
    %get3A_52 = memref.load %arg1[%get3A_51] : memref<16xi32, #tpu.memory_space<smem>>
    %ge3A_53 = arith.cmpi sge, %mul3A_50, %get3A_52 : i32
    %jit3A_54 = arith.constant 1 : i32
    %jit3A_55 = arith.constant 0 : i32
    %select_n3A_56 = arith.select %ge3A_53, %jit3A_54, %jit3A_55 : i32
    %add3A_57 = arith.addi %add3A_48, %select_n3A_56 : i32
    %mul3A_58 = arith.constant 256 : i32
    %mul3A_59 = arith.muli %arg0, %mul3A_58 : i32
    %get3A_60 = arith.constant 15 : index
    %get3A_61 = memref.load %arg1[%get3A_60] : memref<16xi32, #tpu.memory_space<smem>>
    %ge3A_62 = arith.cmpi sge, %mul3A_59, %get3A_61 : i32
    %jit3A_63 = arith.constant 1 : i32
    %jit3A_64 = arith.constant 0 : i32
    %select_n3A_65 = arith.select %ge3A_62, %jit3A_63, %jit3A_64 : i32
    %add3A_66 = arith.addi %add3A_57, %select_n3A_65 : i32
    %min3A = arith.constant 7 : i32
    %min3A_67 = arith.minsi %add3A_66, %min3A : i32
    %c0_i32 = arith.constant 0 : i32
    %c0_i32_68 = arith.constant 0 : i32
    %c0_i32_69 = arith.constant 0 : i32
    return %min3A_67, %c0_i32, %c0_i32_68 : i32, i32, i32
  }
  func.func @transform_2(%arg0: i32, %arg1: memref<16xi32, #tpu.memory_space<smem>>) -> (i32, i32, i32) {
    %mul3A = arith.constant 256 : i32
    %mul3A_0 = arith.muli %arg0, %mul3A : i32
    %get3A = arith.constant 8 : index
    %get3A_1 = memref.load %arg1[%get3A] : memref<16xi32, #tpu.memory_space<smem>>
    %ge3A = arith.cmpi sge, %mul3A_0, %get3A_1 : i32
    %jit3A = arith.constant 1 : i32
    %jit3A_2 = arith.constant 0 : i32
    %select_n3A = arith.select %ge3A, %jit3A, %jit3A_2 : i32
    %add3A = arith.constant 0 : i32
    %add3A_3 = arith.addi %add3A, %select_n3A : i32
    %mul3A_4 = arith.constant 256 : i32
    %mul3A_5 = arith.muli %arg0, %mul3A_4 : i32
    %get3A_6 = arith.constant 9 : index
    %get3A_7 = memref.load %arg1[%get3A_6] : memref<16xi32, #tpu.memory_space<smem>>
    %ge3A_8 = arith.cmpi sge, %mul3A_5, %get3A_7 : i32
    %jit3A_9 = arith.constant 1 : i32
    %jit3A_10 = arith.constant 0 : i32
    %select_n3A_11 = arith.select %ge3A_8, %jit3A_9, %jit3A_10 : i32
    %add3A_12 = arith.addi %add3A_3, %select_n3A_11 : i32
    %mul3A_13 = arith.constant 256 : i32
    %mul3A_14 = arith.muli %arg0, %mul3A_13 : i32
    %get3A_15 = arith.constant 10 : index
    %get3A_16 = memref.load %arg1[%get3A_15] : memref<16xi32, #tpu.memory_space<smem>>
    %ge3A_17 = arith.cmpi sge, %mul3A_14, %get3A_16 : i32
    %jit3A_18 = arith.constant 1 : i32
    %jit3A_19 = arith.constant 0 : i32
    %select_n3A_20 = arith.select %ge3A_17, %jit3A_18, %jit3A_19 : i32
    %add3A_21 = arith.addi %add3A_12, %select_n3A_20 : i32
    %mul3A_22 = arith.constant 256 : i32
    %mul3A_23 = arith.muli %arg0, %mul3A_22 : i32
    %get3A_24 = arith.constant 11 : index
    %get3A_25 = memref.load %arg1[%get3A_24] : memref<16xi32, #tpu.memory_space<smem>>
    %ge3A_26 = arith.cmpi sge, %mul3A_23, %get3A_25 : i32
    %jit3A_27 = arith.constant 1 : i32
    %jit3A_28 = arith.constant 0 : i32
    %select_n3A_29 = arith.select %ge3A_26, %jit3A_27, %jit3A_28 : i32
    %add3A_30 = arith.addi %add3A_21, %select_n3A_29 : i32
    %mul3A_31 = arith.constant 256 : i32
    %mul3A_32 = arith.muli %arg0, %mul3A_31 : i32
    %get3A_33 = arith.constant 12 : index
    %get3A_34 = memref.load %arg1[%get3A_33] : memref<16xi32, #tpu.memory_space<smem>>
    %ge3A_35 = arith.cmpi sge, %mul3A_32, %get3A_34 : i32
    %jit3A_36 = arith.constant 1 : i32
    %jit3A_37 = arith.constant 0 : i32
    %select_n3A_38 = arith.select %ge3A_35, %jit3A_36, %jit3A_37 : i32
    %add3A_39 = arith.addi %add3A_30, %select_n3A_38 : i32
    %mul3A_40 = arith.constant 256 : i32
    %mul3A_41 = arith.muli %arg0, %mul3A_40 : i32
    %get3A_42 = arith.constant 13 : index
    %get3A_43 = memref.load %arg1[%get3A_42] : memref<16xi32, #tpu.memory_space<smem>>
    %ge3A_44 = arith.cmpi sge, %mul3A_41, %get3A_43 : i32
    %jit3A_45 = arith.constant 1 : i32
    %jit3A_46 = arith.constant 0 : i32
    %select_n3A_47 = arith.select %ge3A_44, %jit3A_45, %jit3A_46 : i32
    %add3A_48 = arith.addi %add3A_39, %select_n3A_47 : i32
    %mul3A_49 = arith.constant 256 : i32
    %mul3A_50 = arith.muli %arg0, %mul3A_49 : i32
    %get3A_51 = arith.constant 14 : index
    %get3A_52 = memref.load %arg1[%get3A_51] : memref<16xi32, #tpu.memory_space<smem>>
    %ge3A_53 = arith.cmpi sge, %mul3A_50, %get3A_52 : i32
    %jit3A_54 = arith.constant 1 : i32
    %jit3A_55 = arith.constant 0 : i32
    %select_n3A_56 = arith.select %ge3A_53, %jit3A_54, %jit3A_55 : i32
    %add3A_57 = arith.addi %add3A_48, %select_n3A_56 : i32
    %mul3A_58 = arith.constant 256 : i32
    %mul3A_59 = arith.muli %arg0, %mul3A_58 : i32
    %get3A_60 = arith.constant 15 : index
    %get3A_61 = memref.load %arg1[%get3A_60] : memref<16xi32, #tpu.memory_space<smem>>
    %ge3A_62 = arith.cmpi sge, %mul3A_59, %get3A_61 : i32
    %jit3A_63 = arith.constant 1 : i32
    %jit3A_64 = arith.constant 0 : i32
    %select_n3A_65 = arith.select %ge3A_62, %jit3A_63, %jit3A_64 : i32
    %add3A_66 = arith.addi %add3A_57, %select_n3A_65 : i32
    %min3A = arith.constant 7 : i32
    %min3A_67 = arith.minsi %add3A_66, %min3A : i32
    %c0_i32 = arith.constant 0 : i32
    %c0_i32_68 = arith.constant 0 : i32
    %c0_i32_69 = arith.constant 0 : i32
    return %min3A_67, %c0_i32, %c0_i32_68 : i32, i32, i32
  }
  func.func @transform_3(%arg0: i32, %arg1: memref<16xi32, #tpu.memory_space<smem>>) -> (i32, i32) {
    %c0_i32 = arith.constant 0 : i32
    %c0_i32_0 = arith.constant 0 : i32
    return %arg0, %c0_i32 : i32, i32
  }
}

module attributes {stable_mosaic.version = 14 : i64} {
  func.func @_shared_comb_body(%arg0: i32, %arg1: memref<256x1024xbf16, #tpu.memory_space<vmem>>, %arg2: memref<2048x1024xbf16, #tpu.memory_space<vmem>>, %arg3: memref<1024x1024xbf16, #tpu.memory_space<vmem>>, %arg4: memref<256x1024xf32, #tpu.memory_space<vmem>>, %arg5: memref<256x1024xf32, #tpu.memory_space<vmem>>, %arg6: memref<256x1xf32, #tpu.memory_space<vmem>>, %arg7: memref<256x1xf32, #tpu.memory_space<vmem>>, %arg8: memref<256x1024xf32, #tpu.memory_space<vmem>>) attributes {dimension_semantics = [#tpu.dimension_semantics<arbitrary>], iteration_bounds = array<i64: 8>, scalar_prefetch = 0 : i64, scratch_operands = 0 : i64, tpu.core_type = #tpu.core_type<tc>, window_params = [{transform_indices = @transform_0, window_bounds = array<i64: 256, 1024>}, {pipeline_mode = #tpu.pipeline_mode<synchronous>, transform_indices = @transform_1, window_bounds = array<i64: 2048, 1024>}, {pipeline_mode = #tpu.pipeline_mode<synchronous>, transform_indices = @transform_2, window_bounds = array<i64: 1024, 1024>}, {transform_indices = @transform_3, window_bounds = array<i64: 256, 1024>}, {transform_indices = @transform_4, window_bounds = array<i64: 256, 1024>}, {transform_indices = @transform_5, window_bounds = array<i64: 256, 1>}, {transform_indices = @transform_6, window_bounds = array<i64: 256, 1>}, {transform_indices = @transform_7, window_bounds = array<i64: 256, 1024>}]} {
    %get3A = arith.constant 0 : index
    %get3A_0 = arith.constant 0 : index
    %get3A_1 = vector.load %arg1[%get3A, %get3A_0] : memref<256x1024xbf16, #tpu.memory_space<vmem>>, vector<256x1024xbf16>
    %get3A_2 = arith.constant 0 : index
    %get3A_3 = arith.constant 0 : index
    %get3A_4 = vector.load %arg2[%get3A_2, %get3A_3] : memref<2048x1024xbf16, #tpu.memory_space<vmem>>, vector<2048x1024xbf16>
    %dot_general3A = arith.constant dense<0.000000e+00> : vector<256x2048xf32>
    %dot_general3A_5 = tpu.matmul %get3A_1, %get3A_4, %dot_general3A {dimension_numbers = #tpu.dot_dimension_numbers<[1], [1], [0], [0], [0, 0, 1, 0], [], []>, transpose_lhs_hint = false} : vector<256x1024xbf16>, vector<2048x1024xbf16>, vector<256x2048xf32> -> vector<256x2048xf32>
    %slice3A = vector.extract_strided_slice %dot_general3A_5 {offsets = [0, 0], sizes = [256, 1024], strides = [1, 1]} : vector<256x2048xf32> to vector<256x1024xf32>
    %slice3A_6 = vector.extract_strided_slice %dot_general3A_5 {offsets = [0, 1024], sizes = [256, 1024], strides = [1, 1]} : vector<256x2048xf32> to vector<256x1024xf32>
    %logistic3A = arith.negf %slice3A : vector<256x1024xf32>
    %logistic3A_7 = math.exp %logistic3A : vector<256x1024xf32>
    %logistic3A_8 = arith.constant 1.000000e+00 : f32
    %logistic3A_9 = vector.broadcast %logistic3A_8 : f32 to vector<256x1024xf32>
    %logistic3A_10 = arith.addf %logistic3A_9, %logistic3A_7 : vector<256x1024xf32>
    %logistic3A_11 = arith.divf %logistic3A_9, %logistic3A_10 : vector<256x1024xf32>
    %mul3A = arith.mulf %slice3A, %logistic3A_11 : vector<256x1024xf32>
    %mul3A_12 = arith.mulf %mul3A, %slice3A_6 : vector<256x1024xf32>
    %convert_element_type3A = arith.truncf %mul3A_12 : vector<256x1024xf32> to vector<256x1024xbf16>
    %get3A_13 = arith.constant 0 : index
    %get3A_14 = arith.constant 0 : index
    %get3A_15 = vector.load %arg3[%get3A_13, %get3A_14] : memref<1024x1024xbf16, #tpu.memory_space<vmem>>, vector<1024x1024xbf16>
    %dot_general3A_16 = arith.constant dense<0.000000e+00> : vector<256x1024xf32>
    %dot_general3A_17 = tpu.matmul %convert_element_type3A, %get3A_15, %dot_general3A_16 {dimension_numbers = #tpu.dot_dimension_numbers<[1], [1], [0], [0], [0, 0, 1, 0], [], []>, transpose_lhs_hint = false} : vector<256x1024xbf16>, vector<1024x1024xbf16>, vector<256x1024xf32> -> vector<256x1024xf32>
    %get3A_18 = arith.constant 0 : index
    %get3A_19 = arith.constant 0 : index
    %get3A_20 = vector.load %arg4[%get3A_18, %get3A_19] : memref<256x1024xf32, #tpu.memory_space<vmem>>, vector<256x1024xf32>
    %get3A_21 = arith.constant 0 : index
    %get3A_22 = arith.constant 0 : index
    %get3A_23 = vector.load %arg6[%get3A_21, %get3A_22] : memref<256x1xf32, #tpu.memory_space<vmem>>, vector<256x1xf32>
    %mul3A_24 = vector.broadcast %get3A_23 : vector<256x1xf32> to vector<256x1024xf32>
    %mul3A_25 = arith.mulf %get3A_20, %mul3A_24 : vector<256x1024xf32>
    %add3A = arith.addf %dot_general3A_17, %mul3A_25 : vector<256x1024xf32>
    %get3A_26 = arith.constant 0 : index
    %get3A_27 = arith.constant 0 : index
    %get3A_28 = vector.load %arg5[%get3A_26, %get3A_27] : memref<256x1024xf32, #tpu.memory_space<vmem>>, vector<256x1024xf32>
    %get3A_29 = arith.constant 0 : index
    %get3A_30 = arith.constant 0 : index
    %get3A_31 = vector.load %arg7[%get3A_29, %get3A_30] : memref<256x1xf32, #tpu.memory_space<vmem>>, vector<256x1xf32>
    %mul3A_32 = vector.broadcast %get3A_31 : vector<256x1xf32> to vector<256x1024xf32>
    %mul3A_33 = arith.mulf %get3A_28, %mul3A_32 : vector<256x1024xf32>
    %add3A_34 = arith.addf %add3A, %mul3A_33 : vector<256x1024xf32>
    %swap3A = arith.constant 0 : index
    %swap3A_35 = arith.constant 0 : index
    %swap3A_36 = vector.load %arg8[%swap3A, %swap3A_35] : memref<256x1024xf32, #tpu.memory_space<vmem>>, vector<256x1024xf32>
    tpu.vector_store %arg8[%swap3A, %swap3A_35], %add3A_34 {strides = array<i32>} : memref<256x1024xf32, #tpu.memory_space<vmem>>, vector<256x1024xf32>,
    return
  }
  func.func @transform_0(%arg0: i32) -> (i32, i32) {
    %c0_i32 = arith.constant 0 : i32
    %c0_i32_0 = arith.constant 0 : i32
    return %arg0, %c0_i32 : i32, i32
  }
  func.func @transform_1(%arg0: i32) -> (i32, i32) {
    %c0_i32 = arith.constant 0 : i32
    %c0_i32_0 = arith.constant 0 : i32
    %c0_i32_1 = arith.constant 0 : i32
    return %c0_i32, %c0_i32_0 : i32, i32
  }
  func.func @transform_2(%arg0: i32) -> (i32, i32) {
    %c0_i32 = arith.constant 0 : i32
    %c0_i32_0 = arith.constant 0 : i32
    %c0_i32_1 = arith.constant 0 : i32
    return %c0_i32, %c0_i32_0 : i32, i32
  }
  func.func @transform_3(%arg0: i32) -> (i32, i32) {
    %c0_i32 = arith.constant 0 : i32
    %c0_i32_0 = arith.constant 0 : i32
    return %arg0, %c0_i32 : i32, i32
  }
  func.func @transform_4(%arg0: i32) -> (i32, i32) {
    %add3A = arith.constant 8 : i32
    %add3A_0 = arith.addi %arg0, %add3A : i32
    %c0_i32 = arith.constant 0 : i32
    %c0_i32_1 = arith.constant 0 : i32
    return %add3A_0, %c0_i32 : i32, i32
  }
  func.func @transform_5(%arg0: i32) -> (i32, i32) {
    %c0_i32 = arith.constant 0 : i32
    %c0_i32_0 = arith.constant 0 : i32
    return %arg0, %c0_i32 : i32, i32
  }
  func.func @transform_6(%arg0: i32) -> (i32, i32) {
    %c0_i32 = arith.constant 0 : i32
    %c0_i32_0 = arith.constant 0 : i32
    return %arg0, %c0_i32 : i32, i32
  }
  func.func @transform_7(%arg0: i32) -> (i32, i32) {
    %c0_i32 = arith.constant 0 : i32
    %c0_i32_0 = arith.constant 0 : i32
    return %arg0, %c0_i32 : i32, i32
  }
}

</mosaic_0001>

<sc_bundles>
// kernel: kernel.10.cloned.1.call-start
scs
__scs_entry_jumppad:
0x0: {  	(pc) =	sbr.rel $0x88, $3  }
0x1: {  	(tag) =	ssettag $0x0;
	lr =	simm.s32 $0x1  }
0x2: {  	[smem:$0x3F9A] =	sst lr;
	_ =	strace $0xD0000000  }
0x3: {  	_ = 	snop  }
0x4: {  	_ = 	snop  }
0x5: {  	_ = 	snop  }
0x6: {  	_ = 	snop  }
0x7: {  	_ = 	snop  }
__scs_overlays_trampoline_lowered:
0x8: {  	[smem:$0x3FA9] =	sst s0  }
0x9: {  	[smem:$0x3FAA] =	sst s1  }
0xa: {  	[smem:$0x3FAB] =	sst s2  }
0xb: {  	[smem:$0x3FAC] =	sst s3  }
0xc: {  	[smem:$0x3FAD] =	sst s4  }
0xd: {  	[smem:$0x3FAE] =	sst s5  }
0xe: {  	[smem:$0x3FAF] =	sst s6  }
0xf: {  	[smem:$0x3FB0] =	sst s7  }
0x10: {  	[smem:$0x3FB1] =	sst s8  }
0x11: {  	[smem:$0x3FB2] =	sst s9;
	s0 =	simm.s32 @!p0 $0x0  }
0x12: {  	s1 =	sld [smem:$0x3F98];
	s0 =	simm.s32 @p0 $0x1  }
0x13: {  	[smem:$0x3FB3] =	sst s0;
	s0 =	simm.s32 @!p1 $0x0  }
0x14: {  	s2 =	sld [smem:$0x3F97];
	s0 =	simm.s32 @p1 $0x1  }
0x15: {  	[smem:$0x3FB4] =	sst s0;
	s0 =	simm.s32 @!p2 $0x0  }
0x16: {  	s3 =	sld [smem:$0x3FDB];
	s0 =	simm.s32 @p2 $0x1  }
0x17: {  	s4 =	simm.s32 $0x1BF5;
	[smem:$0x3FB6] =	sst s0  }
0x18: {  	s0 =	sld [smem:$0x3F99];
	_ =	swait.ge [sflag:s4], $0x0  }
0x19: {  	s7 =	sld [smem:$0x3F9A]  }
0x1a: {  	s8 =	sadd.s32 $0xFFFFE003, lr  }
0x1b: {  	s9 =	sadd.s32 $0xFFFFFEF7, lr;
	s5 =	simm.s32 $0xFFFFFFFF;
	p2 =	slt.u32 s8, $0xFFFFF086  }
0x1c: {  	p1 =	slt.u32 s9, $0xF7A;
	s5 =	simm.s32 @!p2 $0x0  }
0x1d: {  	s5 =	simm.s32 @p1 $0x1;
	p0 =	seq.s32 s7, s2  }
0x1e: {  	s7 =	smul.u32 @!p0 $0xF7A, s2;
	p2 =	seq.s32 @!p0 s5, $0x0  }
0x1f: {  	s9 =	smul.u32 $0xF7A, s1;
	s8 =	simm.s32 @!p0 $0x1BF5;
	p2 =	por !p2, p0  }
0x20: {  	[sflag:s8] =	ssyncset.s32 @!p0 $0xFFFFF086;
	s6 =	sadd.s32 @!p0 s3, s7;
	s7 =	simm.s32 @!p0 $0x108  }
0x21: {  	s3 =	sadd.s32 s3, s9;
	s6 =	sadd.s32 @!p0 $0x88, s6;
	s7 =	simm.s32 @p2 $0x1082  }
0x22: {  	[simem:s7], [sflag:s8] =	dma.local @!p0 [hbm:s6], $0xF7A  }
0x23: {  	s9 =	sor.u32 $0xD0000000, s2;
	s6 =	simm.s32 $0x108;
	_ =	swait.ge @!p0 [sflag:s8], $0x0  }
0x24: {  	s3 =	sadd.s32 $0x88, s3;
	s6 =	simm.s32 @!p1 $0x1082;
	[sflag:s4] =	ssyncset.s32 $0xFFFFF086  }
0x25: {  	[simem:s6], [sflag:s4] =	dma.local [hbm:s3], $0xF7A  }
0x26: {  	[smem:$0x3F9A] =	sst s1;
	(tag) =	ssettag s2;
	_ =	strace s9  }
0x27: {  	s1 =	sld [smem:$0x3FAA]  }
0x28: {  	s2 =	sld [smem:$0x3FAB]  }
0x29: {  	s4 =	sld [smem:$0x3FAD]  }
0x2a: {  	p0 =	seq.s32 s5, $0x0;
	s5 =	sld [smem:$0x3FAE]  }
0x2b: {  	s6 =	sld [smem:$0x3FAF]  }
0x2c: {  	s7 =	sld [smem:$0x3FB0]  }
0x2d: {  	s3 =	simm.s32 $0x108;
	s8 =	sld [smem:$0x3FB1]  }
0x2e: {  	s3 =	simm.s32 @!p0 $0x1082;
	s9 =	sld [smem:$0x3FB2]  }
0x2f: {  	lr =	sadd.s32 s0, s3;
	s0 =	sld [smem:$0x3FA9]  }
0x30: {  	s3 =	sld [smem:$0x3FAC]  }
0x31: {  	[smem:$0x3FB5] =	sst s10  }
0x32: {  	s10 =	sld [smem:$0x3FB3];
	_ =	sdelay $0x3  }
0x33: {  	p0 =	seq.s32 s10, $0x1;
	s10 =	sld [smem:$0x3FB5];
	_ =	sdelay $0x3  }
0x34: {  	[smem:$0x3FB5] =	sst s10  }
0x35: {  	s10 =	sld [smem:$0x3FB4];
	_ =	sdelay $0x3  }
0x36: {  	p1 =	seq.s32 s10, $0x1;
	s10 =	sld [smem:$0x3FB5];
	_ =	sdelay $0x3  }
0x37: {  	[smem:$0x3FB5] =	sst s10  }
0x38: {  	s10 =	sld [smem:$0x3FB6]  }
0x39: {  	_ = 	snop;
	(pc) =	sbr.ind lr, $3  }
0x3a: {  	_ = 	snop  }
0x3b: {  	_ = 	snop  }
0x3c: {  	p2 =	seq.s32 s10, $0x1;
	s10 =	sld [smem:$0x3FB5]  }
0x3d: {  	_ =	shalt  }
0x3e: {  	_ =	shalt  }
0x3f: {  	_ =	shalt  }
0x40: {  	_ =	shalt  }
0x41: {  	_ =	shalt  }
0x42: {  	_ =	shalt  }
0x43: {  	_ =	shalt  }
0x44: {  	_ =	shalt  }
0x45: {  	_ =	shalt  }
0x46: {  	_ =	shalt  }
0x47: {  	_ =	shalt  }
0x48: {  	_ =	shalt  }
0x49: {  	_ =	shalt  }
0x4a: {  	_ =	shalt  }
0x4b: {  	_ =	shalt  }
0x4c: {  	_ =	shalt  }
0x4d: {  	_ =	shalt  }
0x4e: {  	_ =	shalt  }
0x4f: {  	_ =	shalt  }
0x50: {  	_ =	shalt  }
0x51: {  	_ =	shalt  }
0x52: {  	_ =	shalt  }
0x53: {  	_ =	shalt  }
0x54: {  	_ =	shalt  }
0x55: {  	_ =	shalt  }
0x56: {  	_ =	shalt  }
0x57: {  	_ =	shalt  }
0x58: {  	_ =	shalt  }
0x59: {  	_ =	shalt  }
0x5a: {  	_ =	shalt  }
0x5b: {  	_ =	shalt  }
0x5c: {  	_ =	shalt  }
0x5d: {  	_ =	shalt  }
0x5e: {  	_ =	shalt  }
0x5f: {  	_ =	shalt  }
0x60: {  	_ =	shalt  }
0x61: {  	_ =	shalt  }
0x62: {  	_ =	shalt  }
0x63: {  	_ =	shalt  }
0x64: {  	_ =	shalt  }
0x65: {  	_ =	shalt  }
0x66: {  	_ =	shalt  }
0x67: {  	_ =	shalt  }
0x68: {  	_ =	shalt  }
0x69: {  	_ =	shalt  }
0x6a: {  	_ =	shalt  }
0x6b: {  	_ =	shalt  }
0x6c: {  	_ =	shalt  }
0x6d: {  	_ =	shalt  }
0x6e: {  	_ =	shalt  }
0x6f: {  	_ =	shalt  }
0x70: {  	_ =	shalt  }
0x71: {  	_ =	shalt  }
0x72: {  	_ =	shalt  }
0x73: {  	_ =	shalt  }
0x74: {  	_ =	shalt  }
0x75: {  	_ =	shalt  }
0x76: {  	_ =	shalt  }
0x77: {  	_ =	shalt  }
0x78: {  	_ =	shalt  }
0x79: {  	_ =	shalt  }
0x7a: {  	_ =	shalt  }
0x7b: {  	_ =	shalt  }
0x7c: {  	_ =	shalt  }
0x7d: {  	_ =	shalt  }
0x7e: {  	_ =	shalt  }
0x7f: {  	_ =	shalt  }
0x80: {  	_ =	shalt  }
0x81: {  	_ =	shalt  }
0x82: {  	_ =	shalt  }
0x83: {  	_ =	shalt  }
0x84: {  	_ =	shalt  }
0x85: {  	_ =	shalt  }
0x86: {  	_ =	shalt  }
0x87: {  	_ =	shalt  }
.Lfunc_end0:
.L_simem_size_0:
called_computation.1_lowered:
.L_overlay_start_0:
0x88: {  	s2 =	sld [smem:$0x3FD9]  }
0x89: {  	s3 =	sld [smem:$0x3FFE];
	_ =	sdelay $0x1  }
0x8a: {  	s1 =	srdreg.scid  }
0x8b: {  	s0 =	sand.u32 $0x1, s1  }
0x8c: {  	s16 =	sshll.u32 s0, $0xA;
	s2 =	sadd.s32 s3, s2  }
0x8d: {  	s2 =	sadd.s32 s2, s16  }
0x8e: {  	[smem:$0x3FC1] =	sst s2  }
0x8f: {  	_ = 	snop  }
0x90: {  	(tm) =	ssettm $0x1  }
0x91: {  	s17 =	sld [smem:$0x3FFB];
	_ =	sdelay $0x3  }
0x92: {  	_ =	strace s17  }
0x93: {  	s2 =	sld [smem:$0x3FFC];
	_ =	sdelay $0x3  }
0x94: {  	_ =	strace s2  }
0x95: {  	s2 =	sld [smem:$0x3FFD];
	_ =	sdelay $0x3  }
0x96: {  	_ =	strace s2  }
0x97: {  	_ =	strace $0x8FFFFFFF  }
0x98: {  	s18 =	sld [smem:$0x3FDB];
	_ =	sdelay $0x1  }
0x99: {  	s19 =	simm.s32 $_scs_section_size  }
0x9a: {  	s4 =	simm.s32 $_size__tile_overlayer_lowered;
	s5 =	simm.s32 $_tile_overlayer_lowered  }
0x9b: {  	s22 =	simm.s32 $0x1BFF;
	s21 =	sshll.u32 s5, $0x1;
	s2 =	sadd.s32 s19, s18  }
0x9c: {  	s6 =	simm.s32 $0x0;
	s20 =	sshll.u32 s4, $0x1;
	s4 =	sadd.s32 s21, s2  }
0x9d: {  	[timem:s6], [sflag:s22] =	dma.local [hbm:s4], s20  }
0x9e: {  	_ =	swait.ge [sflag:s22], s20  }
0x9f: {  	s3 =	ssub.s32 $0x0, s20;
	[sflag:s22] =	ssyncset.done $0x0  }
0xa0: {  	[sflag:s22] =	ssyncadd.s32 s3;
	_ =	sdelay $0x1  }
0xa1: {  	s23 =	simm.s32 $0x1B8B  }
0xa2: {  	_ =	swait.ge [sflag:s23], $0x1  }
0xa3: {  	[sflag:s23] =	ssyncset.done $0x0  }
0xa4: {  	s25 =	simm.s32 $0x1B8E;
	s24 =	sld [smem:$0x3FFE];
	[sflag:s23] =	ssyncadd.s32 $0xFFFFFFFF  }
0xa5: {  	s26 =	simm.s32 $execute0_lowered;
	[smem:$0x3FD2] =	sst s25  }
0xa6: {  	s4 =	sshll.u32 s26, $0x1;
	_ =	strace $0x80000049;
	[dreg:$0x1] =	wrdreg $0xFFFFFFFF  }
0xa7: {  	s28 =	simm.s32 $_size_execute0_lowered;
	s2 =	sadd.s32 s2, s4;
	[dreg:$0x0] =	wrdreg $0x0  }
0xa8: {  	s4 =	sshll.u32 s28, $0x1;
	[dreg:$0x2] =	wrdreg s2  }
0xa9: {  	[dreg:$0x3] =	wrdreg s4  }
0xaa: {  	[dreg:$0x4] =	wrdreg $0xC0  }
0xab: {  	_ =	task [dreg:s6], $0x5FFFF  }
0xac: {  	[dreg:$0x1] =	wrdreg $0xFFFFFFFF  }
0xad: {  	[dreg:$0x0] =	wrdreg $0x60  }
0xae: {  	[dreg:$0x2] =	wrdreg s24  }
0xaf: {  	[dreg:$0x3] =	wrdreg $0x9  }
0xb0: {  	_ =	task.clear_ibuf [dreg:s6], $0x4FFFF;
	_ =	strace $0x90000049  }
0xb1: {  	s29 =	simm.s32 $0x9;
	_ =	strace $0x8000004B  }
0xb2: {  	_ =	swait.ge [sflag:s29], $0x1  }
0xb3: {  	[sflag:s29] =	ssyncadd.s32 $0xFFFFFFFF  }
0xb4: {  	_ =	strace $0x9000004B  }
0xb5: {  	_ =	sfence  }
0xb6: {  	s30 =	sld [smem:$0x0];
	_ =	sdelay $0x2  }
0xb7: {  	s31 =	sshll.u32 s1, $0xD;
	s1 =	sshrl.u32 s1, $0x2  }
0xb8: {  	s3 =	sand.u32 $0x4000, s31;
	s1 =	sadd.s32 s1, s30  }
0xb9: {  	s0 =	sor.u32 s3, s0;
	s1 =	sshll.u32 s1, $0x11  }
0xba: {  	s0 =	sor.u32 s1, s0  }
0xbb: {  	s0 =	sadd.s32 $0x8F2B, s0  }
0xbc: {  	[sflag:s0] =	ssyncadd.remote.s32 $0x1  }
0xbd: {  	_ =	sfence.sel $0xFFFF  }
0xbe: {  	[dreg:$0x0] =	wrdreg $0xFFFFFFFF;
	(pc) =	sbr.abs _section_cstart, $3  }
0xbf: {  	[dreg:$0x1] =	wrdreg $0xFFFFFFFF  }
0xc0: {  	_ =	task.clear_ibuf [dreg:s6], $0x2FFFF;
	_ =	strace $0x9FFFFFFF  }
0xc1: {  	(tm) =	ssettm $0x7FFFFFFF  }
tec
execute0_lowered:
.L_overlay_start_1:
0x0: {  	(tag) =	ssettag $0x1  }
0x1: {  	s0 =	rddreg [dreg:$0x0];
	s3 =	srdreg.scid  }
0x2: {  	s2 =	simm.s32 $0x0;
	s1 =	stileid.u32;
	s15 =	simm.s32 $0x80  }
0x3: {  	s16 =	simm.s32 $0x880;
	s17 =	simm.s32 $0x1080;
	s18 =	simm.s32 $0x1880  }
0x4: {  	s28 =	simm.s32 $0x6080;
	s29 =	simm.s32 $0x6880;
	s30 =	simm.s32 $0x7080  }
0x5: {  	s31 =	simm.s32 $0x7880;
	s4 =	sand.u32 $0x1, s3;
	[smem:$0x7FF] =	sst s2  }
0x6: {  	s5 =	sshll.u32 s1, $0x8;
	s3 =	sadd.s32 $0x1C2A00, s0;
	s11 =	sadd.s32 $0x2800, s0  }
0x7: {  	s12 =	sadd.s32 $0x2A00, s0;
	s6 =	sshll.u32 s4, $0x7;
	s4 =	ssub.s32 $0x2, s4  }
0x8: {  	_ =	strace $0x8000004A;
	s10 =	sor.u32 s6, s5;
	s19 =	sshrl.u32 s4, $0x1  }
0x9: {  	s6 =	sadd.s32 $0x1C2D00, s0;
	s5 =	sshrl.u32 s10, $0x3;
	s13 =	ssub.s32 s4, s19  }
0xa: {  	s20 =	sshll.u32 s10, $0x7;
	s4 =	sadd.s32 $0x1C2B00, s0;
	s21 =	sor.u32 $0x20, s10  }
0xb: {  	s14 =	sor.u32 $0x40, s10;
	s25 =	sor.u32 $0x60, s10;
	s19 =	simm.s32 $0x2080  }
0xc: {  	s5 =	sadd.s32 s11, s5;
	s7 =	sadd.s32 s12, s20;
	s22 =	sshrl.u32 s21, $0x3  }
0xd: {  	s23 =	sshrl.u32 s14, $0x3;
	s24 =	sshll.u32 s14, $0x7;
	s26 =	sshrl.u32 s25, $0x3  }
0xe: {  	s14 =	sshll.u32 s25, $0x7;
	s13 =	smax.u32 s13, $0x1;
	s20 =	simm.s32 $0x2880  }
0xf: {  	s25 =	simm.s32 $0x5080;
	[dreg:$0x2] =	wrdreg s5;
	s5 =	sadd.s32 $0x1C2C00, s0  }
0x10: {  	[dreg:$0x3] =	wrdreg s7;
	s0 =	sshll.u32 s21, $0x7;
	s7 =	sadd.s32 s11, s22  }
0x11: {  	s9 =	sadd.s32 s11, s23;
	s10 =	sadd.s32 s12, s24;
	s11 =	sadd.s32 s11, s26  }
0x12: {  	v2 =	vlaneseq.u32;
	s21 =	simm.s32 $0x3080;
	s22 =	simm.s32 $0x3880;
	s23 =	simm.s32 $0x4080  }
0x13: {  	vm0 =	vmmov $0xffff;
	v1 =	vshrl.u32 v2, $0x3;
	s24 =	simm.s32 $0x4880;
	s26 =	simm.s32 $0x5880;
	s8 =	sadd.s32 s12, s0  }
0x14: {  	v0 =	vand.u32 $0x7, v2;
	v2 =	vor.u32 $0x8, v2;
	v1 =	vmul.u32 $0x8, v1;
	s12 =	sadd.s32 s12, s14;
	s14 =	simm.s32 $0x2;
	s0 =	simm.s32 $0x1  }
.LBB2_1:
0x15: {  	s1 =	rddreg [dreg:$0x2]  }
0x16: {  	[tilespmem:s2], [sflag:$0x2] =	stream.linear.gather [hbm4b:s1+s2], $0x20, $0x38;
	[tilespmem:$0x8080] =	vst v63  }
0x17: {  	_ =	swait.ge [sflag:s14], $0x20  }
0x18: {  	[sflag:s14] =	ssyncset.done $0x0  }
0x19: {  	[sflag:s14] =	ssyncadd.s32 $0xFFFFFFE0  }
0x1a: {  	v3 =	vld [tilespmem:$0x0];
	_ =	sdelay $0x4  }
0x1b: {  	v4 =	vshll.u32 v3, $0x3  }
0x1c: {  	v3 =	vand.u32 $0x7, v3;
	v4 =	vand.u32 $0xFFFFFFC0, v4  }
0x1d: {  	v3 =	vor.u32 v3, v4  }
0x1e: {  	v4 =	vperm.xlane v3, v0;
	_ =	sdelay $0x1  }
0x1f: {  	v4 =	vadd.s32 v1, v4;
	_ =	sdelay $0x4  }
0x20: {  	[tilespmem:s15], [sflag:$0x1] =	stream.indirect_vreg.gather [hbm4b:s3+s2], $0x80, v4, vm0, $0xb8;
	[tilespmem:$0x8080] =	vst v63  }
0x21: {  	v3 =	vperm.xlane v3, v2  }
0x22: {  	[tilespmem:s16], [sflag:$0x1] =	stream.indirect_vreg.gather [hbm4b:s4+s2], $0x80, v4, vm0, $0xb8;
	[tilespmem:$0x8080] =	vst v63  }
0x23: {  	v3 =	vadd.s32 v1, v3  }
0x24: {  	[tilespmem:s17], [sflag:$0x1] =	stream.indirect_vreg.gather [hbm4b:s5+s2], $0x80, v4, vm0, $0xb8;
	[tilespmem:$0x8080] =	vst v63  }
0x25: {  	_ = 	snop  }
0x26: {  	[tilespmem:s18], [sflag:$0x1] =	stream.indirect_vreg.gather [hbm4b:s6+s2], $0x80, v4, vm0, $0xb8;
	[tilespmem:$0x8080] =	vst v63  }
0x27: {  	_ = 	snop  }
0x28: {  	[tilespmem:s19], [sflag:$0x1] =	stream.indirect_vreg.gather [hbm4b:s3+s2], $0x80, v3, vm0, $0xb8;
	[tilespmem:$0x8080] =	vst v63  }
0x29: {  	_ = 	snop  }
0x2a: {  	[tilespmem:s20], [sflag:$0x1] =	stream.indirect_vreg.gather [hbm4b:s4+s2], $0x80, v3, vm0, $0xb8;
	[tilespmem:$0x8080] =	vst v63  }
0x2b: {  	_ = 	snop  }
0x2c: {  	[tilespmem:s21], [sflag:$0x1] =	stream.indirect_vreg.gather [hbm4b:s5+s2], $0x80, v3, vm0, $0xb8;
	[tilespmem:$0x8080] =	vst v63  }
0x2d: {  	_ = 	snop  }
0x2e: {  	[tilespmem:s22], [sflag:$0x1] =	stream.indirect_vreg.gather [hbm4b:s6+s2], $0x80, v3, vm0, $0xb8;
	[tilespmem:$0x8080] =	vst v63  }
0x2f: {  	v3 =	vld [tilespmem:$0x10];
	_ =	sdelay $0x4  }
0x30: {  	v57 =	vshll.u32 v3, $0x3  }
0x31: {  	v3 =	vand.u32 $0x7, v3;
	v4 =	vand.u32 $0xFFFFFFC0, v57  }
0x32: {  	v3 =	vor.u32 v3, v4  }
0x33: {  	v4 =	vperm.xlane v3, v0;
	_ =	sdelay $0x1  }
0x34: {  	v4 =	vadd.s32 v1, v4;
	_ =	sdelay $0x4  }
0x35: {  	[tilespmem:s23], [sflag:$0x1] =	stream.indirect_vreg.gather [hbm4b:s3+s2], $0x80, v4, vm0, $0xb8;
	[tilespmem:$0x8080] =	vst v63  }
0x36: {  	v3 =	vperm.xlane v3, v2  }
0x37: {  	[tilespmem:s24], [sflag:$0x1] =	stream.indirect_vreg.gather [hbm4b:s4+s2], $0x80, v4, vm0, $0xb8;
	[tilespmem:$0x8080] =	vst v63  }
0x38: {  	v3 =	vadd.s32 v1, v3  }
0x39: {  	[tilespmem:s25], [sflag:$0x1] =	stream.indirect_vreg.gather [hbm4b:s5+s2], $0x80, v4, vm0, $0xb8;
	[tilespmem:$0x8080] =	vst v63  }
0x3a: {  	_ = 	snop  }
0x3b: {  	[tilespmem:s26], [sflag:$0x1] =	stream.indirect_vreg.gather [hbm4b:s6+s2], $0x80, v4, vm0, $0xb8;
	[tilespmem:$0x8080] =	vst v63  }
0x3c: {  	_ = 	snop  }
0x3d: {  	[tilespmem:s28], [sflag:$0x1] =	stream.indirect_vreg.gather [hbm4b:s3+s2], $0x80, v3, vm0, $0xb8;
	[tilespmem:$0x8080] =	vst v63  }
0x3e: {  	_ = 	snop  }
0x3f: {  	[tilespmem:s29], [sflag:$0x1] =	stream.indirect_vreg.gather [hbm4b:s4+s2], $0x80, v3, vm0, $0xb8;
	[tilespmem:$0x8080] =	vst v63  }
0x40: {  	_ = 	snop  }
0x41: {  	[tilespmem:s30], [sflag:$0x1] =	stream.indirect_vreg.gather [hbm4b:s5+s2], $0x80, v3, vm0, $0xb8;
	[tilespmem:$0x8080] =	vst v63  }
0x42: {  	_ = 	snop  }
0x43: {  	[tilespmem:s31], [sflag:$0x1] =	stream.indirect_vreg.gather [hbm4b:s6+s2], $0x80, v3, vm0, $0xb8;
	[tilespmem:$0x8080] =	vst v63  }
0x44: {  	_ =	swait.ge [sflag:s0], $0x8000  }
0x45: {  	[sflag:s0] =	ssyncset.done $0x0  }
0x46: {  	s1 =	rddreg [dreg:$0x3];
	[sflag:s0] =	ssyncadd.s32 $0xFFFF8000  }
0x47: {  	[hbm4b:s1+s2] =	stream.linear.scatter [tilespmem:s15], [sflag:$0x2], $0x8000, $0x38;
	[tilespmem:$0x8080] =	vst v63  }
0x48: {  	_ =	swait.ge [sflag:s14], $0x8000  }
0x49: {  	[sflag:s14] =	ssyncset.done $0x0  }
0x4a: {  	[sflag:s14] =	ssyncadd.s32 $0xFFFF8000  }
0x4b: {  	[tilespmem:s2], [sflag:$0x2] =	stream.linear.gather [hbm4b:s7+s2], $0x20, $0x38;
	[tilespmem:$0x8080] =	vst v63  }
0x4c: {  	_ =	swait.ge [sflag:s14], $0x20  }
0x4d: {  	[sflag:s14] =	ssyncset.done $0x0  }
0x4e: {  	[sflag:s14] =	ssyncadd.s32 $0xFFFFFFE0  }
0x4f: {  	v3 =	vld [tilespmem:$0x0];
	_ =	sdelay $0x4  }
0x50: {  	v58 =	vshll.u32 v3, $0x3  }
0x51: {  	v3 =	vand.u32 $0x7, v3;
	v4 =	vand.u32 $0xFFFFFFC0, v58  }
0x52: {  	v3 =	vor.u32 v3, v4  }
0x53: {  	v4 =	vperm.xlane v3, v0;
	_ =	sdelay $0x1  }
0x54: {  	v4 =	vadd.s32 v1, v4;
	_ =	sdelay $0x4  }
0x55: {  	[tilespmem:s15], [sflag:$0x1] =	stream.indirect_vreg.gather [hbm4b:s3+s2], $0x80, v4, vm0, $0xb8;
	[tilespmem:$0x8080] =	vst v63  }
0x56: {  	v3 =	vperm.xlane v3, v2  }
0x57: {  	[tilespmem:s16], [sflag:$0x1] =	stream.indirect_vreg.gather [hbm4b:s4+s2], $0x80, v4, vm0, $0xb8;
	[tilespmem:$0x8080] =	vst v63  }
0x58: {  	v3 =	vadd.s32 v1, v3  }
0x59: {  	[tilespmem:s17], [sflag:$0x1] =	stream.indirect_vreg.gather [hbm4b:s5+s2], $0x80, v4, vm0, $0xb8;
	[tilespmem:$0x8080] =	vst v63  }
0x5a: {  	_ = 	snop  }
0x5b: {  	[tilespmem:s18], [sflag:$0x1] =	stream.indirect_vreg.gather [hbm4b:s6+s2], $0x80, v4, vm0, $0xb8;
	[tilespmem:$0x8080] =	vst v63  }
0x5c: {  	_ = 	snop  }
0x5d: {  	[tilespmem:s19], [sflag:$0x1] =	stream.indirect_vreg.gather [hbm4b:s3+s2], $0x80, v3, vm0, $0xb8;
	[tilespmem:$0x8080] =	vst v63  }
0x5e: {  	_ = 	snop  }
0x5f: {  	[tilespmem:s20], [sflag:$0x1] =	stream.indirect_vreg.gather [hbm4b:s4+s2], $0x80, v3, vm0, $0xb8;
	[tilespmem:$0x8080] =	vst v63  }
0x60: {  	_ = 	snop  }
0x61: {  	[tilespmem:s21], [sflag:$0x1] =	stream.indirect_vreg.gather [hbm4b:s5+s2], $0x80, v3, vm0, $0xb8;
	[tilespmem:$0x8080] =	vst v63  }
0x62: {  	_ = 	snop  }
0x63: {  	[tilespmem:s22], [sflag:$0x1] =	stream.indirect_vreg.gather [hbm4b:s6+s2], $0x80, v3, vm0, $0xb8;
	[tilespmem:$0x8080] =	vst v63  }
0x64: {  	v3 =	vld [tilespmem:$0x10];
	_ =	sdelay $0x4  }
0x65: {  	v59 =	vshll.u32 v3, $0x3  }
0x66: {  	v3 =	vand.u32 $0x7, v3;
	v4 =	vand.u32 $0xFFFFFFC0, v59  }
0x67: {  	v3 =	vor.u32 v3, v4  }
0x68: {  	v4 =	vperm.xlane v3, v0;
	_ =	sdelay $0x1  }
0x69: {  	v4 =	vadd.s32 v1, v4;
	_ =	sdelay $0x4  }
0x6a: {  	[tilespmem:s23], [sflag:$0x1] =	stream.indirect_vreg.gather [hbm4b:s3+s2], $0x80, v4, vm0, $0xb8;
	[tilespmem:$0x8080] =	vst v63  }
0x6b: {  	v3 =	vperm.xlane v3, v2  }
0x6c: {  	[tilespmem:s24], [sflag:$0x1] =	stream.indirect_vreg.gather [hbm4b:s4+s2], $0x80, v4, vm0, $0xb8;
	[tilespmem:$0x8080] =	vst v63  }
0x6d: {  	v3 =	vadd.s32 v1, v3  }
0x6e: {  	[tilespmem:s25], [sflag:$0x1] =	stream.indirect_vreg.gather [hbm4b:s5+s2], $0x80, v4, vm0, $0xb8;
	[tilespmem:$0x8080] =	vst v63  }
0x6f: {  	_ = 	snop  }
0x70: {  	[tilespmem:s26], [sflag:$0x1] =	stream.indirect_vreg.gather [hbm4b:s6+s2], $0x80, v4, vm0, $0xb8;
	[tilespmem:$0x8080] =	vst v63  }
0x71: {  	_ = 	snop  }
0x72: {  	[tilespmem:s28], [sflag:$0x1] =	stream.indirect_vreg.gather [hbm4b:s3+s2], $0x80, v3, vm0, $0xb8;
	[tilespmem:$0x8080] =	vst v63  }
0x73: {  	_ = 	snop  }
0x74: {  	[tilespmem:s29], [sflag:$0x1] =	stream.indirect_vreg.gather [hbm4b:s4+s2], $0x80, v3, vm0, $0xb8;
	[tilespmem:$0x8080] =	vst v63  }
0x75: {  	_ = 	snop  }
0x76: {  	[tilespmem:s30], [sflag:$0x1] =	stream.indirect_vreg.gather [hbm4b:s5+s2], $0x80, v3, vm0, $0xb8;
	[tilespmem:$0x8080] =	vst v63  }
0x77: {  	_ = 	snop  }
0x78: {  	[tilespmem:s31], [sflag:$0x1] =	stream.indirect_vreg.gather [hbm4b:s6+s2], $0x80, v3, vm0, $0xb8;
	[tilespmem:$0x8080] =	vst v63  }
0x79: {  	_ =	swait.ge [sflag:s0], $0x8000  }
0x7a: {  	[sflag:s0] =	ssyncset.done $0x0  }
0x7b: {  	[sflag:s0] =	ssyncadd.s32 $0xFFFF8000  }
0x7c: {  	[hbm4b:s8+s2] =	stream.linear.scatter [tilespmem:s15], [sflag:$0x2], $0x8000, $0x38;
	[tilespmem:$0x8080] =	vst v63  }
0x7d: {  	_ =	swait.ge [sflag:s14], $0x8000  }
0x7e: {  	[sflag:s14] =	ssyncset.done $0x0  }
0x7f: {  	[sflag:s14] =	ssyncadd.s32 $0xFFFF8000  }
0x80: {  	[tilespmem:s2], [sflag:$0x2] =	stream.linear.gather [hbm4b:s9+s2], $0x20, $0x38;
	[tilespmem:$0x8080] =	vst v63  }
0x81: {  	_ =	swait.ge [sflag:s14], $0x20  }
0x82: {  	[sflag:s14] =	ssyncset.done $0x0  }
0x83: {  	[sflag:s14] =	ssyncadd.s32 $0xFFFFFFE0  }
0x84: {  	v3 =	vld [tilespmem:$0x0];
	_ =	sdelay $0x4  }
0x85: {  	v60 =	vshll.u32 v3, $0x3  }
0x86: {  	v3 =	vand.u32 $0x7, v3;
	v4 =	vand.u32 $0xFFFFFFC0, v60  }
0x87: {  	v3 =	vor.u32 v3, v4  }
0x88: {  	v4 =	vperm.xlane v3, v0;
	_ =	sdelay $0x1  }
0x89: {  	v4 =	vadd.s32 v1, v4;
	_ =	sdelay $0x4  }
0x8a: {  	[tilespmem:s15], [sflag:$0x1] =	stream.indirect_vreg.gather [hbm4b:s3+s2], $0x80, v4, vm0, $0xb8;
	[tilespmem:$0x8080] =	vst v63  }
0x8b: {  	v3 =	vperm.xlane v3, v2  }
0x8c: {  	[tilespmem:s16], [sflag:$0x1] =	stream.indirect_vreg.gather [hbm4b:s4+s2], $0x80, v4, vm0, $0xb8;
	[tilespmem:$0x8080] =	vst v63  }
0x8d: {  	v3 =	vadd.s32 v1, v3  }
0x8e: {  	[tilespmem:s17], [sflag:$0x1] =	stream.indirect_vreg.gather [hbm4b:s5+s2], $0x80, v4, vm0, $0xb8;
	[tilespmem:$0x8080] =	vst v63  }
0x8f: {  	_ = 	snop  }
0x90: {  	[tilespmem:s18], [sflag:$0x1] =	stream.indirect_vreg.gather [hbm4b:s6+s2], $0x80, v4, vm0, $0xb8;
	[tilespmem:$0x8080] =	vst v63  }
0x91: {  	_ = 	snop  }
0x92: {  	[tilespmem:s19], [sflag:$0x1] =	stream.indirect_vreg.gather [hbm4b:s3+s2], $0x80, v3, vm0, $0xb8;
	[tilespmem:$0x8080] =	vst v63  }
0x93: {  	_ = 	snop  }
0x94: {  	[tilespmem:s20], [sflag:$0x1] =	stream.indirect_vreg.gather [hbm4b:s4+s2], $0x80, v3, vm0, $0xb8;
	[tilespmem:$0x8080] =	vst v63  }
0x95: {  	_ = 	snop  }
0x96: {  	[tilespmem:s21], [sflag:$0x1] =	stream.indirect_vreg.gather [hbm4b:s5+s2], $0x80, v3, vm0, $0xb8;
	[tilespmem:$0x8080] =	vst v63  }
0x97: {  	_ = 	snop  }
0x98: {  	[tilespmem:s22], [sflag:$0x1] =	stream.indirect_vreg.gather [hbm4b:s6+s2], $0x80, v3, vm0, $0xb8;
	[tilespmem:$0x8080] =	vst v63  }
0x99: {  	v3 =	vld [tilespmem:$0x10];
	_ =	sdelay $0x4  }
0x9a: {  	v61 =	vshll.u32 v3, $0x3  }
0x9b: {  	v3 =	vand.u32 $0x7, v3;
	v4 =	vand.u32 $0xFFFFFFC0, v61  }
0x9c: {  	v3 =	vor.u32 v3, v4  }
0x9d: {  	v4 =	vperm.xlane v3, v0;
	_ =	sdelay $0x1  }
0x9e: {  	v4 =	vadd.s32 v1, v4;
	_ =	sdelay $0x4  }
0x9f: {  	[tilespmem:s23], [sflag:$0x1] =	stream.indirect_vreg.gather [hbm4b:s3+s2], $0x80, v4, vm0, $0xb8;
	[tilespmem:$0x8080] =	vst v63  }
0xa0: {  	v3 =	vperm.xlane v3, v2  }
0xa1: {  	[tilespmem:s24], [sflag:$0x1] =	stream.indirect_vreg.gather [hbm4b:s4+s2], $0x80, v4, vm0, $0xb8;
	[tilespmem:$0x8080] =	vst v63  }
0xa2: {  	v3 =	vadd.s32 v1, v3  }
0xa3: {  	[tilespmem:s25], [sflag:$0x1] =	stream.indirect_vreg.gather [hbm4b:s5+s2], $0x80, v4, vm0, $0xb8;
	[tilespmem:$0x8080] =	vst v63  }
0xa4: {  	_ = 	snop  }
0xa5: {  	[tilespmem:s26], [sflag:$0x1] =	stream.indirect_vreg.gather [hbm4b:s6+s2], $0x80, v4, vm0, $0xb8;
	[tilespmem:$0x8080] =	vst v63  }
0xa6: {  	_ = 	snop  }
0xa7: {  	[tilespmem:s28], [sflag:$0x1] =	stream.indirect_vreg.gather [hbm4b:s3+s2], $0x80, v3, vm0, $0xb8;
	[tilespmem:$0x8080] =	vst v63  }
0xa8: {  	_ = 	snop  }
0xa9: {  	[tilespmem:s29], [sflag:$0x1] =	stream.indirect_vreg.gather [hbm4b:s4+s2], $0x80, v3, vm0, $0xb8;
	[tilespmem:$0x8080] =	vst v63  }
0xaa: {  	_ = 	snop  }
0xab: {  	[tilespmem:s30], [sflag:$0x1] =	stream.indirect_vreg.gather [hbm4b:s5+s2], $0x80, v3, vm0, $0xb8;
	[tilespmem:$0x8080] =	vst v63  }
0xac: {  	_ = 	snop  }
0xad: {  	[tilespmem:s31], [sflag:$0x1] =	stream.indirect_vreg.gather [hbm4b:s6+s2], $0x80, v3, vm0, $0xb8;
	[tilespmem:$0x8080] =	vst v63  }
0xae: {  	_ =	swait.ge [sflag:s0], $0x8000  }
0xaf: {  	[sflag:s0] =	ssyncset.done $0x0  }
0xb0: {  	[sflag:s0] =	ssyncadd.s32 $0xFFFF8000  }
0xb1: {  	[hbm4b:s10+s2] =	stream.linear.scatter [tilespmem:s15], [sflag:$0x2], $0x8000, $0x38;
	[tilespmem:$0x8080] =	vst v63  }
0xb2: {  	_ =	swait.ge [sflag:s14], $0x8000  }
0xb3: {  	[sflag:s14] =	ssyncset.done $0x0  }
0xb4: {  	[sflag:s14] =	ssyncadd.s32 $0xFFFF8000  }
0xb5: {  	[tilespmem:s2], [sflag:$0x2] =	stream.linear.gather [hbm4b:s11+s2], $0x20, $0x38;
	[tilespmem:$0x8080] =	vst v63  }
0xb6: {  	_ =	swait.ge [sflag:s14], $0x20  }
0xb7: {  	[sflag:s14] =	ssyncset.done $0x0  }
0xb8: {  	[sflag:s14] =	ssyncadd.s32 $0xFFFFFFE0  }
0xb9: {  	v3 =	vld [tilespmem:$0x0];
	_ =	sdelay $0x4  }
0xba: {  	v62 =	vshll.u32 v3, $0x3  }
0xbb: {  	v3 =	vand.u32 $0x7, v3;
	v4 =	vand.u32 $0xFFFFFFC0, v62  }
0xbc: {  	v3 =	vor.u32 v3, v4  }
0xbd: {  	v4 =	vperm.xlane v3, v0;
	_ =	sdelay $0x1  }
0xbe: {  	v4 =	vadd.s32 v1, v4;
	_ =	sdelay $0x4  }
0xbf: {  	[tilespmem:s15], [sflag:$0x1] =	stream.indirect_vreg.gather [hbm4b:s3+s2], $0x80, v4, vm0, $0xb8;
	[tilespmem:$0x8080] =	vst v63  }
0xc0: {  	v3 =	vperm.xlane v3, v2  }
0xc1: {  	[tilespmem:s16], [sflag:$0x1] =	stream.indirect_vreg.gather [hbm4b:s4+s2], $0x80, v4, vm0, $0xb8;
	[tilespmem:$0x8080] =	vst v63  }
0xc2: {  	v3 =	vadd.s32 v1, v3  }
0xc3: {  	[tilespmem:s17], [sflag:$0x1] =	stream.indirect_vreg.gather [hbm4b:s5+s2], $0x80, v4, vm0, $0xb8;
	[tilespmem:$0x8080] =	vst v63  }
0xc4: {  	_ = 	snop  }
0xc5: {  	[tilespmem:s18], [sflag:$0x1] =	stream.indirect_vreg.gather [hbm4b:s6+s2], $0x80, v4, vm0, $0xb8;
	[tilespmem:$0x8080] =	vst v63  }
0xc6: {  	_ = 	snop  }
0xc7: {  	[tilespmem:s19], [sflag:$0x1] =	stream.indirect_vreg.gather [hbm4b:s3+s2], $0x80, v3, vm0, $0xb8;
	[tilespmem:$0x8080] =	vst v63  }
0xc8: {  	_ = 	snop  }
0xc9: {  	[tilespmem:s20], [sflag:$0x1] =	stream.indirect_vreg.gather [hbm4b:s4+s2], $0x80, v3, vm0, $0xb8;
	[tilespmem:$0x8080] =	vst v63  }
0xca: {  	_ = 	snop  }
0xcb: {  	[tilespmem:s21], [sflag:$0x1] =	stream.indirect_vreg.gather [hbm4b:s5+s2], $0x80, v3, vm0, $0xb8;
	[tilespmem:$0x8080] =	vst v63  }
0xcc: {  	_ = 	snop  }
0xcd: {  	[tilespmem:s22], [sflag:$0x1] =	stream.indirect_vreg.gather [hbm4b:s6+s2], $0x80, v3, vm0, $0xb8;
	[tilespmem:$0x8080] =	vst v63  }
0xce: {  	v3 =	vld [tilespmem:$0x10];
	_ =	sdelay $0x4  }
0xcf: {  	v63 =	vshll.u32 v3, $0x3  }
0xd0: {  	v3 =	vand.u32 $0x7, v3;
	v4 =	vand.u32 $0xFFFFFFC0, v63  }
0xd1: {  	v3 =	vor.u32 v3, v4  }
0xd2: {  	v4 =	vperm.xlane v3, v0;
	_ =	sdelay $0x1  }
0xd3: {  	v4 =	vadd.s32 v1, v4;
	_ =	sdelay $0x4  }
0xd4: {  	[tilespmem:s23], [sflag:$0x1] =	stream.indirect_vreg.gather [hbm4b:s3+s2], $0x80, v4, vm0, $0xb8;
	[tilespmem:$0x8080] =	vst v63  }
0xd5: {  	v3 =	vperm.xlane v3, v2  }
0xd6: {  	[tilespmem:s24], [sflag:$0x1] =	stream.indirect_vreg.gather [hbm4b:s4+s2], $0x80, v4, vm0, $0xb8;
	[tilespmem:$0x8080] =	vst v63  }
0xd7: {  	v3 =	vadd.s32 v1, v3  }
0xd8: {  	[tilespmem:s25], [sflag:$0x1] =	stream.indirect_vreg.gather [hbm4b:s5+s2], $0x80, v4, vm0, $0xb8;
	[tilespmem:$0x8080] =	vst v63  }
0xd9: {  	_ = 	snop  }
0xda: {  	[tilespmem:s26], [sflag:$0x1] =	stream.indirect_vreg.gather [hbm4b:s6+s2], $0x80, v4, vm0, $0xb8;
	[tilespmem:$0x8080] =	vst v63  }
0xdb: {  	_ = 	snop  }
0xdc: {  	[tilespmem:s28], [sflag:$0x1] =	stream.indirect_vreg.gather [hbm4b:s3+s2], $0x80, v3, vm0, $0xb8;
	[tilespmem:$0x8080] =	vst v63  }
0xdd: {  	_ = 	snop  }
0xde: {  	[tilespmem:s29], [sflag:$0x1] =	stream.indirect_vreg.gather [hbm4b:s4+s2], $0x80, v3, vm0, $0xb8;
	[tilespmem:$0x8080] =	vst v63  }
0xdf: {  	_ = 	snop  }
0xe0: {  	[tilespmem:s30], [sflag:$0x1] =	stream.indirect_vreg.gather [hbm4b:s5+s2], $0x80, v3, vm0, $0xb8;
	[tilespmem:$0x8080] =	vst v63  }
0xe1: {  	_ = 	snop  }
0xe2: {  	[tilespmem:s31], [sflag:$0x1] =	stream.indirect_vreg.gather [hbm4b:s6+s2], $0x80, v3, vm0, $0xb8;
	[tilespmem:$0x8080] =	vst v63  }
0xe3: {  	_ =	swait.ge [sflag:s0], $0x8000  }
0xe4: {  	p0 =	sne.s32 s13, $0x1;
	[sflag:s0] =	ssyncset.done $0x0  }
.Ltmp0:
0xe5: {  	[sflag:s0] =	ssyncadd.s32 $0xFFFF8000;
	(pc) =	sbr.rel @p0 .LBB2_1-.Ltmp0, $4  }
0xe6: {  	[hbm4b:s12+s2] =	stream.linear.scatter [tilespmem:s15], [sflag:$0x2], $0x8000, $0x38;
	[tilespmem:$0x8080] =	vst v63  }
0xe7: {  	_ =	swait.ge [sflag:s14], $0x8000  }
0xe8: {  	[sflag:s14] =	ssyncset.done $0x0  }
0xe9: {  	s13 =	sadd.s32 $0xFFFFFFFF, s13;
	[sflag:s14] =	ssyncadd.s32 $0xFFFF8000  }
0xea: {  	_ =	sfence.sel $0x180000  }
0xeb: {  	[bflag:$0x0] =	sbarrier.arrive $0xFFFF  }
0xec: {  	_ =	strace $0x9000004A  }
0xed: {  	s0 =	stileid.u32;
	[bflag:$0x2] =	sbarrier.arrive $0xFFFF  }
0xee: {  	p0 =	sne.s32 s0, $0x0;
	s0 =	rddreg [dreg:$0x1]  }
0xef: {  	s0 =	sadd.s32 @!p0 $0x100000, s0  }
0xf0: {  	[sflag:s0] =	ssyncadd.tile.s32 @!p0 $0x1;
	_ =	shalt  }
.Lfunc_end2:
_tile_overlayer_lowered:
.L_overlay_start_2:
0xf1: {  	(tag) =	ssettag $0x2  }
0xf2: {  	s0 =	rddreg [dreg:$0x0];
	s2 =	stileid.u32  }
0xf3: {  	s1 =	rddreg [dreg:$0x1];
	p0 =	sne.s32 s2, $0x0  }
0xf4: {  	s3 =	rddreg [dreg:$0x2];
	[bflag:$0x3] =	sbarrier.arrive $0xFFFF;
	s2 =	simm.s32 @!p0 $0x1C02  }
0xf5: {  	[timem:s3], [sflag:s2] =	dma.local @!p0 [hbm:s0], s1  }
0xf6: {  	s0 =	simm.s32 @!p0 $0x2  }
0xf7: {  	_ =	swait.ge @!p0 [sflag:s0], s1  }
0xf8: {  	s1 =	ssub.s32 @!p0 $0x0, s1;
	[sflag:s0] =	ssyncset.done @!p0 $0x0  }
0xf9: {  	[sflag:s0] =	ssyncadd.s32 @!p0 s1  }
0xfa: {  	[bflag:$0x3] =	sbarrier.arrive $0xFFFF  }
0xfb: {  	_ =	shalt  }

// kernel: kernel.7.cloned.1.call-start
scs
__scs_entry_jumppad:
0x0: {  	(pc) =	sbr.rel $0x88, $3  }
0x1: {  	(tag) =	ssettag $0x0;
	lr =	simm.s32 $0x1  }
0x2: {  	[smem:$0x3F9A] =	sst lr;
	_ =	strace $0xD0000000  }
0x3: {  	_ = 	snop  }
0x4: {  	_ = 	snop  }
0x5: {  	_ = 	snop  }
0x6: {  	_ = 	snop  }
0x7: {  	_ = 	snop  }
__scs_overlays_trampoline_lowered:
0x8: {  	[smem:$0x3FA9] =	sst s0  }
0x9: {  	[smem:$0x3FAA] =	sst s1  }
0xa: {  	[smem:$0x3FAB] =	sst s2  }
0xb: {  	[smem:$0x3FAC] =	sst s3  }
0xc: {  	[smem:$0x3FAD] =	sst s4  }
0xd: {  	[smem:$0x3FAE] =	sst s5  }
0xe: {  	[smem:$0x3FAF] =	sst s6  }
0xf: {  	[smem:$0x3FB0] =	sst s7  }
0x10: {  	[smem:$0x3FB1] =	sst s8  }
0x11: {  	[smem:$0x3FB2] =	sst s9;
	s0 =	simm.s32 @!p0 $0x0  }
0x12: {  	s1 =	sld [smem:$0x3F98];
	s0 =	simm.s32 @p0 $0x1  }
0x13: {  	[smem:$0x3FB3] =	sst s0;
	s0 =	simm.s32 @!p1 $0x0  }
0x14: {  	s2 =	sld [smem:$0x3F97];
	s0 =	simm.s32 @p1 $0x1  }
0x15: {  	[smem:$0x3FB4] =	sst s0;
	s0 =	simm.s32 @!p2 $0x0  }
0x16: {  	s3 =	sld [smem:$0x3FDB];
	s0 =	simm.s32 @p2 $0x1  }
0x17: {  	s4 =	simm.s32 $0x1BF5;
	[smem:$0x3FB6] =	sst s0  }
0x18: {  	s0 =	sld [smem:$0x3F99];
	_ =	swait.ge [sflag:s4], $0x0  }
0x19: {  	s7 =	sld [smem:$0x3F9A]  }
0x1a: {  	s8 =	sadd.s32 $0xFFFFE003, lr  }
0x1b: {  	s9 =	sadd.s32 $0xFFFFFEF7, lr;
	s5 =	simm.s32 $0xFFFFFFFF;
	p2 =	slt.u32 s8, $0xFFFFF086  }
0x1c: {  	p1 =	slt.u32 s9, $0xF7A;
	s5 =	simm.s32 @!p2 $0x0  }
0x1d: {  	s5 =	simm.s32 @p1 $0x1;
	p0 =	seq.s32 s7, s2  }
0x1e: {  	s7 =	smul.u32 @!p0 $0xF7A, s2;
	p2 =	seq.s32 @!p0 s5, $0x0  }
0x1f: {  	s9 =	smul.u32 $0xF7A, s1;
	s8 =	simm.s32 @!p0 $0x1BF5;
	p2 =	por !p2, p0  }
0x20: {  	[sflag:s8] =	ssyncset.s32 @!p0 $0xFFFFF086;
	s6 =	sadd.s32 @!p0 s3, s7;
	s7 =	simm.s32 @!p0 $0x108  }
0x21: {  	s3 =	sadd.s32 s3, s9;
	s6 =	sadd.s32 @!p0 $0x88, s6;
	s7 =	simm.s32 @p2 $0x1082  }
0x22: {  	[simem:s7], [sflag:s8] =	dma.local @!p0 [hbm:s6], $0xF7A  }
0x23: {  	s9 =	sor.u32 $0xD0000000, s2;
	s6 =	simm.s32 $0x108;
	_ =	swait.ge @!p0 [sflag:s8], $0x0  }
0x24: {  	s3 =	sadd.s32 $0x88, s3;
	s6 =	simm.s32 @!p1 $0x1082;
	[sflag:s4] =	ssyncset.s32 $0xFFFFF086  }
0x25: {  	[simem:s6], [sflag:s4] =	dma.local [hbm:s3], $0xF7A  }
0x26: {  	[smem:$0x3F9A] =	sst s1;
	(tag) =	ssettag s2;
	_ =	strace s9  }
0x27: {  	s1 =	sld [smem:$0x3FAA]  }
0x28: {  	s2 =	sld [smem:$0x3FAB]  }
0x29: {  	s4 =	sld [smem:$0x3FAD]  }
0x2a: {  	p0 =	seq.s32 s5, $0x0;
	s5 =	sld [smem:$0x3FAE]  }
0x2b: {  	s6 =	sld [smem:$0x3FAF]  }
0x2c: {  	s7 =	sld [smem:$0x3FB0]  }
0x2d: {  	s3 =	simm.s32 $0x108;
	s8 =	sld [smem:$0x3FB1]  }
0x2e: {  	s3 =	simm.s32 @!p0 $0x1082;
	s9 =	sld [smem:$0x3FB2]  }
0x2f: {  	lr =	sadd.s32 s0, s3;
	s0 =	sld [smem:$0x3FA9]  }
0x30: {  	s3 =	sld [smem:$0x3FAC]  }
0x31: {  	[smem:$0x3FB5] =	sst s10  }
0x32: {  	s10 =	sld [smem:$0x3FB3];
	_ =	sdelay $0x3  }
0x33: {  	p0 =	seq.s32 s10, $0x1;
	s10 =	sld [smem:$0x3FB5];
	_ =	sdelay $0x3  }
0x34: {  	[smem:$0x3FB5] =	sst s10  }
0x35: {  	s10 =	sld [smem:$0x3FB4];
	_ =	sdelay $0x3  }
0x36: {  	p1 =	seq.s32 s10, $0x1;
	s10 =	sld [smem:$0x3FB5];
	_ =	sdelay $0x3  }
0x37: {  	[smem:$0x3FB5] =	sst s10  }
0x38: {  	s10 =	sld [smem:$0x3FB6]  }
0x39: {  	_ = 	snop;
	(pc) =	sbr.ind lr, $3  }
0x3a: {  	_ = 	snop  }
0x3b: {  	_ = 	snop  }
0x3c: {  	p2 =	seq.s32 s10, $0x1;
	s10 =	sld [smem:$0x3FB5]  }
0x3d: {  	_ =	shalt  }
0x3e: {  	_ =	shalt  }
0x3f: {  	_ =	shalt  }
0x40: {  	_ =	shalt  }
0x41: {  	_ =	shalt  }
0x42: {  	_ =	shalt  }
0x43: {  	_ =	shalt  }
0x44: {  	_ =	shalt  }
0x45: {  	_ =	shalt  }
0x46: {  	_ =	shalt  }
0x47: {  	_ =	shalt  }
0x48: {  	_ =	shalt  }
0x49: {  	_ =	shalt  }
0x4a: {  	_ =	shalt  }
0x4b: {  	_ =	shalt  }
0x4c: {  	_ =	shalt  }
0x4d: {  	_ =	shalt  }
0x4e: {  	_ =	shalt  }
0x4f: {  	_ =	shalt  }
0x50: {  	_ =	shalt  }
0x51: {  	_ =	shalt  }
0x52: {  	_ =	shalt  }
0x53: {  	_ =	shalt  }
0x54: {  	_ =	shalt  }
0x55: {  	_ =	shalt  }
0x56: {  	_ =	shalt  }
0x57: {  	_ =	shalt  }
0x58: {  	_ =	shalt  }
0x59: {  	_ =	shalt  }
0x5a: {  	_ =	shalt  }
0x5b: {  	_ =	shalt  }
0x5c: {  	_ =	shalt  }
0x5d: {  	_ =	shalt  }
0x5e: {  	_ =	shalt  }
0x5f: {  	_ =	shalt  }
0x60: {  	_ =	shalt  }
0x61: {  	_ =	shalt  }
0x62: {  	_ =	shalt  }
0x63: {  	_ =	shalt  }
0x64: {  	_ =	shalt  }
0x65: {  	_ =	shalt  }
0x66: {  	_ =	shalt  }
0x67: {  	_ =	shalt  }
0x68: {  	_ =	shalt  }
0x69: {  	_ =	shalt  }
0x6a: {  	_ =	shalt  }
0x6b: {  	_ =	shalt  }
0x6c: {  	_ =	shalt  }
0x6d: {  	_ =	shalt  }
0x6e: {  	_ =	shalt  }
0x6f: {  	_ =	shalt  }
0x70: {  	_ =	shalt  }
0x71: {  	_ =	shalt  }
0x72: {  	_ =	shalt  }
0x73: {  	_ =	shalt  }
0x74: {  	_ =	shalt  }
0x75: {  	_ =	shalt  }
0x76: {  	_ =	shalt  }
0x77: {  	_ =	shalt  }
0x78: {  	_ =	shalt  }
0x79: {  	_ =	shalt  }
0x7a: {  	_ =	shalt  }
0x7b: {  	_ =	shalt  }
0x7c: {  	_ =	shalt  }
0x7d: {  	_ =	shalt  }
0x7e: {  	_ =	shalt  }
0x7f: {  	_ =	shalt  }
0x80: {  	_ =	shalt  }
0x81: {  	_ =	shalt  }
0x82: {  	_ =	shalt  }
0x83: {  	_ =	shalt  }
0x84: {  	_ =	shalt  }
0x85: {  	_ =	shalt  }
0x86: {  	_ =	shalt  }
0x87: {  	_ =	shalt  }
.Lfunc_end0:
.L_simem_size_0:
called_computation_lowered:
.L_overlay_start_0:
0x88: {  	s2 =	sld [smem:$0x3FD9]  }
0x89: {  	s3 =	sld [smem:$0x3FFE];
	_ =	sdelay $0x1  }
0x8a: {  	s1 =	srdreg.scid  }
0x8b: {  	s0 =	sand.u32 $0x1, s1  }
0x8c: {  	s17 =	sshll.u32 s0, $0xA;
	s2 =	sadd.s32 s3, s2  }
0x8d: {  	s2 =	sadd.s32 s2, s17  }
0x8e: {  	[smem:$0x3FC1] =	sst s2  }
0x8f: {  	_ = 	snop  }
0x90: {  	s2 =	sld [smem:$0x3FC9];
	(tm) =	ssettm $0x1  }
0x91: {  	s18 =	sld [smem:$0x3FFB];
	_ =	sdelay $0x3  }
0x92: {  	_ =	strace s18  }
0x93: {  	s3 =	sld [smem:$0x3FFC];
	_ =	sdelay $0x3  }
0x94: {  	_ =	strace s3  }
0x95: {  	s3 =	sld [smem:$0x3FFD];
	_ =	sdelay $0x3  }
0x96: {  	_ =	strace s3  }
0x97: {  	_ =	strace $0x8FFFFFFF  }
0x98: {  	s19 =	sld [smem:$0x3FDB];
	_ =	sdelay $0x1  }
0x99: {  	s4 =	simm.s32 $_scs_section_size  }
0x9a: {  	s5 =	simm.s32 $_size__tile_overlayer_lowered;
	s6 =	simm.s32 $_tile_overlayer_lowered  }
0x9b: {  	s22 =	simm.s32 $0x1BFF;
	s21 =	sshll.u32 s6, $0x1;
	s3 =	sadd.s32 s4, s19  }
0x9c: {  	s7 =	simm.s32 $0x0;
	s20 =	sshll.u32 s5, $0x1;
	s5 =	sadd.s32 s21, s3  }
0x9d: {  	[timem:s7], [sflag:s22] =	dma.local [hbm:s5], s20  }
0x9e: {  	_ =	swait.ge [sflag:s22], s20  }
0x9f: {  	s4 =	ssub.s32 $0x0, s20;
	[sflag:s22] =	ssyncset.done $0x0  }
0xa0: {  	[sflag:s22] =	ssyncadd.s32 s4;
	_ =	sdelay $0x1  }
0xa1: {  	s23 =	simm.s32 $0x1B8B  }
0xa2: {  	_ =	swait.ge [sflag:s23], $0x1  }
0xa3: {  	[sflag:s23] =	ssyncset.done $0x0  }
0xa4: {  	s25 =	simm.s32 $0x1B8E;
	s24 =	sld [smem:$0x3FFE];
	[sflag:s23] =	ssyncadd.s32 $0xFFFFFFFF  }
0xa5: {  	s26 =	simm.s32 $execute0_lowered;
	[smem:$0x3FD2] =	sst s25  }
0xa6: {  	s5 =	sshll.u32 s26, $0x1;
	_ =	strace $0x80000046;
	[dreg:$0x1] =	wrdreg $0xFFFFFFFF  }
0xa7: {  	s28 =	simm.s32 $_size_execute0_lowered;
	s3 =	sadd.s32 s3, s5;
	[dreg:$0x0] =	wrdreg $0x0  }
0xa8: {  	s5 =	sshll.u32 s28, $0x1;
	[dreg:$0x2] =	wrdreg s3  }
0xa9: {  	[dreg:$0x3] =	wrdreg s5  }
0xaa: {  	[dreg:$0x4] =	wrdreg $0xC0  }
0xab: {  	_ =	task [dreg:s7], $0x5FFFF  }
0xac: {  	[dreg:$0x1] =	wrdreg $0xFFFFFFFF  }
0xad: {  	[dreg:$0x0] =	wrdreg $0x60  }
0xae: {  	[dreg:$0x2] =	wrdreg s2  }
0xaf: {  	[dreg:$0x3] =	wrdreg s24  }
0xb0: {  	[dreg:$0x4] =	wrdreg $0x9  }
0xb1: {  	_ =	task.clear_ibuf [dreg:s7], $0x5FFFF;
	_ =	strace $0x90000046  }
0xb2: {  	s29 =	simm.s32 $0x9;
	_ =	strace $0x80000048  }
0xb3: {  	_ =	swait.ge [sflag:s29], $0x1  }
0xb4: {  	[sflag:s29] =	ssyncadd.s32 $0xFFFFFFFF  }
0xb5: {  	_ =	strace $0x90000048  }
0xb6: {  	_ =	sfence  }
0xb7: {  	s30 =	sld [smem:$0x0];
	_ =	sdelay $0x2  }
0xb8: {  	s31 =	sshll.u32 s1, $0xD;
	s1 =	sshrl.u32 s1, $0x2  }
0xb9: {  	s3 =	sand.u32 $0x4000, s31;
	s1 =	sadd.s32 s1, s30  }
0xba: {  	s0 =	sor.u32 s3, s0;
	s1 =	sshll.u32 s1, $0x11  }
0xbb: {  	s0 =	sor.u32 s1, s0  }
0xbc: {  	s0 =	sadd.s32 $0x8F2B, s0  }
0xbd: {  	[sflag:s0] =	ssyncadd.remote.s32 $0x1  }
0xbe: {  	_ =	sfence.sel $0xFFFF  }
0xbf: {  	[dreg:$0x0] =	wrdreg $0xFFFFFFFF;
	(pc) =	sbr.abs _section_cstart, $3  }
0xc0: {  	[dreg:$0x1] =	wrdreg $0xFFFFFFFF  }
0xc1: {  	_ =	task.clear_ibuf [dreg:s7], $0x2FFFF;
	_ =	strace $0x9FFFFFFF  }
0xc2: {  	(tm) =	ssettm $0x7FFFFFFF  }
0xc3: {  	_ =	shalt  }
tec
execute0_lowered:
.L_overlay_start_1:
0x0: {  	(tag) =	ssettag $0x1  }
0x1: {  	s0 =	rddreg [dreg:$0x0]  }
0x2: {  	s7 =	rddreg [dreg:$0x1]  }
0x3: {  	s3 =	srdreg.scid;
	s1 =	stileid.u32;
	s2 =	simm.s32 $0x0  }
0x4: {  	s14 =	simm.s32 $0x2;
	s15 =	simm.s32 $0x80;
	s16 =	simm.s32 $0x880  }
0x5: {  	s17 =	simm.s32 $0x1080;
	s18 =	simm.s32 $0x1880;
	s19 =	simm.s32 $0x2080  }
0x6: {  	s20 =	simm.s32 $0x2880;
	s21 =	simm.s32 $0x3080;
	s22 =	simm.s32 $0x3880  }
0x7: {  	s23 =	simm.s32 $0x4080;
	s28 =	simm.s32 $0x6080;
	s29 =	simm.s32 $0x6880  }
0x8: {  	s30 =	simm.s32 $0x7080;
	s4 =	sand.u32 $0x1, s3;
	s24 =	sshll.u32 s1, $0x1  }
0x9: {  	s31 =	simm.s32 $0x7880;
	[smem:$0x7FF] =	sst s2;
	s5 =	sor.u32 s4, s24  }
0xa: {  	_ =	strace $0x80000047;
	s4 =	ssub.s32 $0x2, s4;
	s24 =	simm.s32 $0x4880  }
0xb: {  	s3 =	sshll.u32 s5, $0x4;
	s6 =	sshrl.u32 s4, $0x1;
	s5 =	sshll.u32 s5, $0xE  }
0xc: {  	s11 =	sadd.s32 s3, s7;
	s3 =	sadd.s32 $0x2A00, s7;
	s13 =	ssub.s32 s4, s6  }
0xd: {  	s25 =	sand.u32 $0x3C000, s5;
	s5 =	sadd.s32 $0x2B00, s7;
	s6 =	sadd.s32 $0x2C00, s7  }
0xe: {  	s7 =	sadd.s32 $0x2D00, s7;
	s8 =	sadd.s32 $0x2800, s11;
	s4 =	sadd.s32 s0, s25  }
0xf: {  	s26 =	sadd.s32 $0x2804, s11;
	s9 =	sadd.s32 $0x2808, s11;
	s11 =	sadd.s32 $0x280C, s11  }
0x10: {  	v2 =	vlaneseq.u32;
	s13 =	smax.u32 s13, $0x1;
	s25 =	simm.s32 $0x5080;
	[dreg:$0x3] =	wrdreg s8  }
0x11: {  	vm0 =	vmmov $0xffff;
	v1 =	vshrl.u32 v2, $0x3;
	s0 =	simm.s32 $0x1;
	[dreg:$0x4] =	wrdreg s26;
	s8 =	sadd.s32 $0x1000, s4  }
0x12: {  	v0 =	vand.u32 $0x7, v2;
	v2 =	vor.u32 $0x8, v2;
	v1 =	vmul.u32 $0x8, v1;
	s10 =	sadd.s32 $0x2000, s4;
	s12 =	sadd.s32 $0x3000, s4;
	s26 =	simm.s32 $0x5880  }
.LBB2_1:
0x13: {  	s1 =	rddreg [dreg:$0x3]  }
0x14: {  	[tilespmem:s2], [sflag:$0x2] =	stream.linear.gather [hbm4b:s1+s2], $0x20, $0x38;
	[tilespmem:$0x8080] =	vst v63  }
0x15: {  	_ =	swait.ge [sflag:s14], $0x20  }
0x16: {  	[sflag:s14] =	ssyncset.done $0x0  }
0x17: {  	[sflag:s14] =	ssyncadd.s32 $0xFFFFFFE0  }
0x18: {  	[tilespmem:s15], [sflag:$0x2] =	stream.linear.gather [hbm4b:s4+s2], $0x8000, $0x38;
	[tilespmem:$0x8080] =	vst v63  }
0x19: {  	_ =	swait.ge [sflag:s14], $0x8000  }
0x1a: {  	[sflag:s14] =	ssyncset.done $0x0  }
0x1b: {  	[sflag:s14] =	ssyncadd.s32 $0xFFFF8000  }
0x1c: {  	v3 =	vld [tilespmem:$0x0];
	_ =	sdelay $0x4  }
0x1d: {  	v4 =	vshll.u32 v3, $0x3  }
0x1e: {  	v3 =	vand.u32 $0x7, v3;
	v4 =	vand.u32 $0xFFFFFFC0, v4  }
0x1f: {  	v3 =	vor.u32 v3, v4  }
0x20: {  	v4 =	vperm.xlane v3, v0;
	_ =	sdelay $0x1  }
0x21: {  	v4 =	vadd.s32 v1, v4;
	_ =	sdelay $0x4  }
0x22: {  	[hbm4b:s3+s2] =	stream.indirect_vreg.scatter [tilespmem:s15], [sflag:$0x1], $0x80, v4, vm0, $0xb8;
	[tilespmem:$0x8080] =	vst v63  }
0x23: {  	v3 =	vperm.xlane v3, v2  }
0x24: {  	[hbm4b:s5+s2] =	stream.indirect_vreg.scatter [tilespmem:s16], [sflag:$0x1], $0x80, v4, vm0, $0xb8;
	[tilespmem:$0x8080] =	vst v63  }
0x25: {  	v3 =	vadd.s32 v1, v3  }
0x26: {  	[hbm4b:s6+s2] =	stream.indirect_vreg.scatter [tilespmem:s17], [sflag:$0x1], $0x80, v4, vm0, $0xb8;
	[tilespmem:$0x8080] =	vst v63  }
0x27: {  	_ = 	snop  }
0x28: {  	[hbm4b:s7+s2] =	stream.indirect_vreg.scatter [tilespmem:s18], [sflag:$0x1], $0x80, v4, vm0, $0xb8;
	[tilespmem:$0x8080] =	vst v63  }
0x29: {  	_ = 	snop  }
0x2a: {  	[hbm4b:s3+s2] =	stream.indirect_vreg.scatter [tilespmem:s19], [sflag:$0x1], $0x80, v3, vm0, $0xb8;
	[tilespmem:$0x8080] =	vst v63  }
0x2b: {  	_ = 	snop  }
0x2c: {  	[hbm4b:s5+s2] =	stream.indirect_vreg.scatter [tilespmem:s20], [sflag:$0x1], $0x80, v3, vm0, $0xb8;
	[tilespmem:$0x8080] =	vst v63  }
0x2d: {  	_ = 	snop  }
0x2e: {  	[hbm4b:s6+s2] =	stream.indirect_vreg.scatter [tilespmem:s21], [sflag:$0x1], $0x80, v3, vm0, $0xb8;
	[tilespmem:$0x8080] =	vst v63  }
0x2f: {  	_ = 	snop  }
0x30: {  	[hbm4b:s7+s2] =	stream.indirect_vreg.scatter [tilespmem:s22], [sflag:$0x1], $0x80, v3, vm0, $0xb8;
	[tilespmem:$0x8080] =	vst v63  }
0x31: {  	v3 =	vld [tilespmem:$0x10];
	_ =	sdelay $0x4  }
0x32: {  	v57 =	vshll.u32 v3, $0x3  }
0x33: {  	v3 =	vand.u32 $0x7, v3;
	v4 =	vand.u32 $0xFFFFFFC0, v57  }
0x34: {  	v3 =	vor.u32 v3, v4  }
0x35: {  	v4 =	vperm.xlane v3, v0;
	_ =	sdelay $0x1  }
0x36: {  	v4 =	vadd.s32 v1, v4;
	_ =	sdelay $0x4  }
0x37: {  	[hbm4b:s3+s2] =	stream.indirect_vreg.scatter [tilespmem:s23], [sflag:$0x1], $0x80, v4, vm0, $0xb8;
	[tilespmem:$0x8080] =	vst v63  }
0x38: {  	v3 =	vperm.xlane v3, v2  }
0x39: {  	[hbm4b:s5+s2] =	stream.indirect_vreg.scatter [tilespmem:s24], [sflag:$0x1], $0x80, v4, vm0, $0xb8;
	[tilespmem:$0x8080] =	vst v63  }
0x3a: {  	v3 =	vadd.s32 v1, v3  }
0x3b: {  	[hbm4b:s6+s2] =	stream.indirect_vreg.scatter [tilespmem:s25], [sflag:$0x1], $0x80, v4, vm0, $0xb8;
	[tilespmem:$0x8080] =	vst v63  }
0x3c: {  	_ = 	snop  }
0x3d: {  	[hbm4b:s7+s2] =	stream.indirect_vreg.scatter [tilespmem:s26], [sflag:$0x1], $0x80, v4, vm0, $0xb8;
	[tilespmem:$0x8080] =	vst v63  }
0x3e: {  	_ = 	snop  }
0x3f: {  	[hbm4b:s3+s2] =	stream.indirect_vreg.scatter [tilespmem:s28], [sflag:$0x1], $0x80, v3, vm0, $0xb8;
	[tilespmem:$0x8080] =	vst v63  }
0x40: {  	_ = 	snop  }
0x41: {  	[hbm4b:s5+s2] =	stream.indirect_vreg.scatter [tilespmem:s29], [sflag:$0x1], $0x80, v3, vm0, $0xb8;
	[tilespmem:$0x8080] =	vst v63  }
0x42: {  	_ = 	snop  }
0x43: {  	[hbm4b:s6+s2] =	stream.indirect_vreg.scatter [tilespmem:s30], [sflag:$0x1], $0x80, v3, vm0, $0xb8;
	[tilespmem:$0x8080] =	vst v63  }
0x44: {  	_ = 	snop  }
0x45: {  	[hbm4b:s7+s2] =	stream.indirect_vreg.scatter [tilespmem:s31], [sflag:$0x1], $0x80, v3, vm0, $0xb8;
	[tilespmem:$0x8080] =	vst v63  }
0x46: {  	_ =	swait.ge [sflag:s0], $0x8000  }
0x47: {  	[sflag:s0] =	ssyncset.done $0x0  }
0x48: {  	s1 =	rddreg [dreg:$0x4];
	[sflag:s0] =	ssyncadd.s32 $0xFFFF8000  }
0x49: {  	[tilespmem:s2], [sflag:$0x2] =	stream.linear.gather [hbm4b:s1+s2], $0x20, $0x38;
	[tilespmem:$0x8080] =	vst v63  }
0x4a: {  	_ =	swait.ge [sflag:s14], $0x20  }
0x4b: {  	[sflag:s14] =	ssyncset.done $0x0  }
0x4c: {  	[sflag:s14] =	ssyncadd.s32 $0xFFFFFFE0  }
0x4d: {  	[tilespmem:s15], [sflag:$0x2] =	stream.linear.gather [hbm4b:s8+s2], $0x8000, $0x38;
	[tilespmem:$0x8080] =	vst v63  }
0x4e: {  	_ =	swait.ge [sflag:s14], $0x8000  }
0x4f: {  	[sflag:s14] =	ssyncset.done $0x0  }
0x50: {  	[sflag:s14] =	ssyncadd.s32 $0xFFFF8000  }
0x51: {  	v3 =	vld [tilespmem:$0x0];
	_ =	sdelay $0x4  }
0x52: {  	v58 =	vshll.u32 v3, $0x3  }
0x53: {  	v3 =	vand.u32 $0x7, v3;
	v4 =	vand.u32 $0xFFFFFFC0, v58  }
0x54: {  	v3 =	vor.u32 v3, v4  }
0x55: {  	v4 =	vperm.xlane v3, v0;
	_ =	sdelay $0x1  }
0x56: {  	v4 =	vadd.s32 v1, v4;
	_ =	sdelay $0x4  }
0x57: {  	[hbm4b:s3+s2] =	stream.indirect_vreg.scatter [tilespmem:s15], [sflag:$0x1], $0x80, v4, vm0, $0xb8;
	[tilespmem:$0x8080] =	vst v63  }
0x58: {  	v3 =	vperm.xlane v3, v2  }
0x59: {  	[hbm4b:s5+s2] =	stream.indirect_vreg.scatter [tilespmem:s16], [sflag:$0x1], $0x80, v4, vm0, $0xb8;
	[tilespmem:$0x8080] =	vst v63  }
0x5a: {  	v3 =	vadd.s32 v1, v3  }
0x5b: {  	[hbm4b:s6+s2] =	stream.indirect_vreg.scatter [tilespmem:s17], [sflag:$0x1], $0x80, v4, vm0, $0xb8;
	[tilespmem:$0x8080] =	vst v63  }
0x5c: {  	_ = 	snop  }
0x5d: {  	[hbm4b:s7+s2] =	stream.indirect_vreg.scatter [tilespmem:s18], [sflag:$0x1], $0x80, v4, vm0, $0xb8;
	[tilespmem:$0x8080] =	vst v63  }
0x5e: {  	_ = 	snop  }
0x5f: {  	[hbm4b:s3+s2] =	stream.indirect_vreg.scatter [tilespmem:s19], [sflag:$0x1], $0x80, v3, vm0, $0xb8;
	[tilespmem:$0x8080] =	vst v63  }
0x60: {  	_ = 	snop  }
0x61: {  	[hbm4b:s5+s2] =	stream.indirect_vreg.scatter [tilespmem:s20], [sflag:$0x1], $0x80, v3, vm0, $0xb8;
	[tilespmem:$0x8080] =	vst v63  }
0x62: {  	_ = 	snop  }
0x63: {  	[hbm4b:s6+s2] =	stream.indirect_vreg.scatter [tilespmem:s21], [sflag:$0x1], $0x80, v3, vm0, $0xb8;
	[tilespmem:$0x8080] =	vst v63  }
0x64: {  	_ = 	snop  }
0x65: {  	[hbm4b:s7+s2] =	stream.indirect_vreg.scatter [tilespmem:s22], [sflag:$0x1], $0x80, v3, vm0, $0xb8;
	[tilespmem:$0x8080] =	vst v63  }
0x66: {  	v3 =	vld [tilespmem:$0x10];
	_ =	sdelay $0x4  }
0x67: {  	v59 =	vshll.u32 v3, $0x3  }
0x68: {  	v3 =	vand.u32 $0x7, v3;
	v4 =	vand.u32 $0xFFFFFFC0, v59  }
0x69: {  	v3 =	vor.u32 v3, v4  }
0x6a: {  	v4 =	vperm.xlane v3, v0;
	_ =	sdelay $0x1  }
0x6b: {  	v4 =	vadd.s32 v1, v4;
	_ =	sdelay $0x4  }
0x6c: {  	[hbm4b:s3+s2] =	stream.indirect_vreg.scatter [tilespmem:s23], [sflag:$0x1], $0x80, v4, vm0, $0xb8;
	[tilespmem:$0x8080] =	vst v63  }
0x6d: {  	v3 =	vperm.xlane v3, v2  }
0x6e: {  	[hbm4b:s5+s2] =	stream.indirect_vreg.scatter [tilespmem:s24], [sflag:$0x1], $0x80, v4, vm0, $0xb8;
	[tilespmem:$0x8080] =	vst v63  }
0x6f: {  	v3 =	vadd.s32 v1, v3  }
0x70: {  	[hbm4b:s6+s2] =	stream.indirect_vreg.scatter [tilespmem:s25], [sflag:$0x1], $0x80, v4, vm0, $0xb8;
	[tilespmem:$0x8080] =	vst v63  }
0x71: {  	_ = 	snop  }
0x72: {  	[hbm4b:s7+s2] =	stream.indirect_vreg.scatter [tilespmem:s26], [sflag:$0x1], $0x80, v4, vm0, $0xb8;
	[tilespmem:$0x8080] =	vst v63  }
0x73: {  	_ = 	snop  }
0x74: {  	[hbm4b:s3+s2] =	stream.indirect_vreg.scatter [tilespmem:s28], [sflag:$0x1], $0x80, v3, vm0, $0xb8;
	[tilespmem:$0x8080] =	vst v63  }
0x75: {  	_ = 	snop  }
0x76: {  	[hbm4b:s5+s2] =	stream.indirect_vreg.scatter [tilespmem:s29], [sflag:$0x1], $0x80, v3, vm0, $0xb8;
	[tilespmem:$0x8080] =	vst v63  }
0x77: {  	_ = 	snop  }
0x78: {  	[hbm4b:s6+s2] =	stream.indirect_vreg.scatter [tilespmem:s30], [sflag:$0x1], $0x80, v3, vm0, $0xb8;
	[tilespmem:$0x8080] =	vst v63  }
0x79: {  	_ = 	snop  }
0x7a: {  	[hbm4b:s7+s2] =	stream.indirect_vreg.scatter [tilespmem:s31], [sflag:$0x1], $0x80, v3, vm0, $0xb8;
	[tilespmem:$0x8080] =	vst v63  }
0x7b: {  	_ =	swait.ge [sflag:s0], $0x8000  }
0x7c: {  	[sflag:s0] =	ssyncset.done $0x0  }
0x7d: {  	[sflag:s0] =	ssyncadd.s32 $0xFFFF8000  }
0x7e: {  	[tilespmem:s2], [sflag:$0x2] =	stream.linear.gather [hbm4b:s9+s2], $0x20, $0x38;
	[tilespmem:$0x8080] =	vst v63  }
0x7f: {  	_ =	swait.ge [sflag:s14], $0x20  }
0x80: {  	[sflag:s14] =	ssyncset.done $0x0  }
0x81: {  	[sflag:s14] =	ssyncadd.s32 $0xFFFFFFE0  }
0x82: {  	[tilespmem:s15], [sflag:$0x2] =	stream.linear.gather [hbm4b:s10+s2], $0x8000, $0x38;
	[tilespmem:$0x8080] =	vst v63  }
0x83: {  	_ =	swait.ge [sflag:s14], $0x8000  }
0x84: {  	[sflag:s14] =	ssyncset.done $0x0  }
0x85: {  	[sflag:s14] =	ssyncadd.s32 $0xFFFF8000  }
0x86: {  	v3 =	vld [tilespmem:$0x0];
	_ =	sdelay $0x4  }
0x87: {  	v60 =	vshll.u32 v3, $0x3  }
0x88: {  	v3 =	vand.u32 $0x7, v3;
	v4 =	vand.u32 $0xFFFFFFC0, v60  }
0x89: {  	v3 =	vor.u32 v3, v4  }
0x8a: {  	v4 =	vperm.xlane v3, v0;
	_ =	sdelay $0x1  }
0x8b: {  	v4 =	vadd.s32 v1, v4;
	_ =	sdelay $0x4  }
0x8c: {  	[hbm4b:s3+s2] =	stream.indirect_vreg.scatter [tilespmem:s15], [sflag:$0x1], $0x80, v4, vm0, $0xb8;
	[tilespmem:$0x8080] =	vst v63  }
0x8d: {  	v3 =	vperm.xlane v3, v2  }
0x8e: {  	[hbm4b:s5+s2] =	stream.indirect_vreg.scatter [tilespmem:s16], [sflag:$0x1], $0x80, v4, vm0, $0xb8;
	[tilespmem:$0x8080] =	vst v63  }
0x8f: {  	v3 =	vadd.s32 v1, v3  }
0x90: {  	[hbm4b:s6+s2] =	stream.indirect_vreg.scatter [tilespmem:s17], [sflag:$0x1], $0x80, v4, vm0, $0xb8;
	[tilespmem:$0x8080] =	vst v63  }
0x91: {  	_ = 	snop  }
0x92: {  	[hbm4b:s7+s2] =	stream.indirect_vreg.scatter [tilespmem:s18], [sflag:$0x1], $0x80, v4, vm0, $0xb8;
	[tilespmem:$0x8080] =	vst v63  }
0x93: {  	_ = 	snop  }
0x94: {  	[hbm4b:s3+s2] =	stream.indirect_vreg.scatter [tilespmem:s19], [sflag:$0x1], $0x80, v3, vm0, $0xb8;
	[tilespmem:$0x8080] =	vst v63  }
0x95: {  	_ = 	snop  }
0x96: {  	[hbm4b:s5+s2] =	stream.indirect_vreg.scatter [tilespmem:s20], [sflag:$0x1], $0x80, v3, vm0, $0xb8;
	[tilespmem:$0x8080] =	vst v63  }
0x97: {  	_ = 	snop  }
0x98: {  	[hbm4b:s6+s2] =	stream.indirect_vreg.scatter [tilespmem:s21], [sflag:$0x1], $0x80, v3, vm0, $0xb8;
	[tilespmem:$0x8080] =	vst v63  }
0x99: {  	_ = 	snop  }
0x9a: {  	[hbm4b:s7+s2] =	stream.indirect_vreg.scatter [tilespmem:s22], [sflag:$0x1], $0x80, v3, vm0, $0xb8;
	[tilespmem:$0x8080] =	vst v63  }
0x9b: {  	v3 =	vld [tilespmem:$0x10];
	_ =	sdelay $0x4  }
0x9c: {  	v61 =	vshll.u32 v3, $0x3  }
0x9d: {  	v3 =	vand.u32 $0x7, v3;
	v4 =	vand.u32 $0xFFFFFFC0, v61  }
0x9e: {  	v3 =	vor.u32 v3, v4  }
0x9f: {  	v4 =	vperm.xlane v3, v0;
	_ =	sdelay $0x1  }
0xa0: {  	v4 =	vadd.s32 v1, v4;
	_ =	sdelay $0x4  }
0xa1: {  	[hbm4b:s3+s2] =	stream.indirect_vreg.scatter [tilespmem:s23], [sflag:$0x1], $0x80, v4, vm0, $0xb8;
	[tilespmem:$0x8080] =	vst v63  }
0xa2: {  	v3 =	vperm.xlane v3, v2  }
0xa3: {  	[hbm4b:s5+s2] =	stream.indirect_vreg.scatter [tilespmem:s24], [sflag:$0x1], $0x80, v4, vm0, $0xb8;
	[tilespmem:$0x8080] =	vst v63  }
0xa4: {  	v3 =	vadd.s32 v1, v3  }
0xa5: {  	[hbm4b:s6+s2] =	stream.indirect_vreg.scatter [tilespmem:s25], [sflag:$0x1], $0x80, v4, vm0, $0xb8;
	[tilespmem:$0x8080] =	vst v63  }
0xa6: {  	_ = 	snop  }
0xa7: {  	[hbm4b:s7+s2] =	stream.indirect_vreg.scatter [tilespmem:s26], [sflag:$0x1], $0x80, v4, vm0, $0xb8;
	[tilespmem:$0x8080] =	vst v63  }
0xa8: {  	_ = 	snop  }
0xa9: {  	[hbm4b:s3+s2] =	stream.indirect_vreg.scatter [tilespmem:s28], [sflag:$0x1], $0x80, v3, vm0, $0xb8;
	[tilespmem:$0x8080] =	vst v63  }
0xaa: {  	_ = 	snop  }
0xab: {  	[hbm4b:s5+s2] =	stream.indirect_vreg.scatter [tilespmem:s29], [sflag:$0x1], $0x80, v3, vm0, $0xb8;
	[tilespmem:$0x8080] =	vst v63  }
0xac: {  	_ = 	snop  }
0xad: {  	[hbm4b:s6+s2] =	stream.indirect_vreg.scatter [tilespmem:s30], [sflag:$0x1], $0x80, v3, vm0, $0xb8;
	[tilespmem:$0x8080] =	vst v63  }
0xae: {  	_ = 	snop  }
0xaf: {  	[hbm4b:s7+s2] =	stream.indirect_vreg.scatter [tilespmem:s31], [sflag:$0x1], $0x80, v3, vm0, $0xb8;
	[tilespmem:$0x8080] =	vst v63  }
0xb0: {  	_ =	swait.ge [sflag:s0], $0x8000  }
0xb1: {  	[sflag:s0] =	ssyncset.done $0x0  }
0xb2: {  	[sflag:s0] =	ssyncadd.s32 $0xFFFF8000  }
0xb3: {  	[tilespmem:s2], [sflag:$0x2] =	stream.linear.gather [hbm4b:s11+s2], $0x20, $0x38;
	[tilespmem:$0x8080] =	vst v63  }
0xb4: {  	_ =	swait.ge [sflag:s14], $0x20  }
0xb5: {  	[sflag:s14] =	ssyncset.done $0x0  }
0xb6: {  	[sflag:s14] =	ssyncadd.s32 $0xFFFFFFE0  }
0xb7: {  	[tilespmem:s15], [sflag:$0x2] =	stream.linear.gather [hbm4b:s12+s2], $0x8000, $0x38;
	[tilespmem:$0x8080] =	vst v63  }
0xb8: {  	_ =	swait.ge [sflag:s14], $0x8000  }
0xb9: {  	[sflag:s14] =	ssyncset.done $0x0  }
0xba: {  	[sflag:s14] =	ssyncadd.s32 $0xFFFF8000  }
0xbb: {  	v3 =	vld [tilespmem:$0x0];
	_ =	sdelay $0x4  }
0xbc: {  	v62 =	vshll.u32 v3, $0x3  }
0xbd: {  	v3 =	vand.u32 $0x7, v3;
	v4 =	vand.u32 $0xFFFFFFC0, v62  }
0xbe: {  	v3 =	vor.u32 v3, v4  }
0xbf: {  	v4 =	vperm.xlane v3, v0;
	_ =	sdelay $0x1  }
0xc0: {  	v4 =	vadd.s32 v1, v4;
	_ =	sdelay $0x4  }
0xc1: {  	[hbm4b:s3+s2] =	stream.indirect_vreg.scatter [tilespmem:s15], [sflag:$0x1], $0x80, v4, vm0, $0xb8;
	[tilespmem:$0x8080] =	vst v63  }
0xc2: {  	v3 =	vperm.xlane v3, v2  }
0xc3: {  	[hbm4b:s5+s2] =	stream.indirect_vreg.scatter [tilespmem:s16], [sflag:$0x1], $0x80, v4, vm0, $0xb8;
	[tilespmem:$0x8080] =	vst v63  }
0xc4: {  	v3 =	vadd.s32 v1, v3  }
0xc5: {  	[hbm4b:s6+s2] =	stream.indirect_vreg.scatter [tilespmem:s17], [sflag:$0x1], $0x80, v4, vm0, $0xb8;
	[tilespmem:$0x8080] =	vst v63  }
0xc6: {  	_ = 	snop  }
0xc7: {  	[hbm4b:s7+s2] =	stream.indirect_vreg.scatter [tilespmem:s18], [sflag:$0x1], $0x80, v4, vm0, $0xb8;
	[tilespmem:$0x8080] =	vst v63  }
0xc8: {  	_ = 	snop  }
0xc9: {  	[hbm4b:s3+s2] =	stream.indirect_vreg.scatter [tilespmem:s19], [sflag:$0x1], $0x80, v3, vm0, $0xb8;
	[tilespmem:$0x8080] =	vst v63  }
0xca: {  	_ = 	snop  }
0xcb: {  	[hbm4b:s5+s2] =	stream.indirect_vreg.scatter [tilespmem:s20], [sflag:$0x1], $0x80, v3, vm0, $0xb8;
	[tilespmem:$0x8080] =	vst v63  }
0xcc: {  	_ = 	snop  }
0xcd: {  	[hbm4b:s6+s2] =	stream.indirect_vreg.scatter [tilespmem:s21], [sflag:$0x1], $0x80, v3, vm0, $0xb8;
	[tilespmem:$0x8080] =	vst v63  }
0xce: {  	_ = 	snop  }
0xcf: {  	[hbm4b:s7+s2] =	stream.indirect_vreg.scatter [tilespmem:s22], [sflag:$0x1], $0x80, v3, vm0, $0xb8;
	[tilespmem:$0x8080] =	vst v63  }
0xd0: {  	v3 =	vld [tilespmem:$0x10];
	_ =	sdelay $0x4  }
0xd1: {  	v63 =	vshll.u32 v3, $0x3  }
0xd2: {  	v3 =	vand.u32 $0x7, v3;
	v4 =	vand.u32 $0xFFFFFFC0, v63  }
0xd3: {  	v3 =	vor.u32 v3, v4  }
0xd4: {  	v4 =	vperm.xlane v3, v0;
	_ =	sdelay $0x1  }
0xd5: {  	v4 =	vadd.s32 v1, v4;
	_ =	sdelay $0x4  }
0xd6: {  	[hbm4b:s3+s2] =	stream.indirect_vreg.scatter [tilespmem:s23], [sflag:$0x1], $0x80, v4, vm0, $0xb8;
	[tilespmem:$0x8080] =	vst v63  }
0xd7: {  	v3 =	vperm.xlane v3, v2  }
0xd8: {  	[hbm4b:s5+s2] =	stream.indirect_vreg.scatter [tilespmem:s24], [sflag:$0x1], $0x80, v4, vm0, $0xb8;
	[tilespmem:$0x8080] =	vst v63  }
0xd9: {  	v3 =	vadd.s32 v1, v3  }
0xda: {  	[hbm4b:s6+s2] =	stream.indirect_vreg.scatter [tilespmem:s25], [sflag:$0x1], $0x80, v4, vm0, $0xb8;
	[tilespmem:$0x8080] =	vst v63  }
0xdb: {  	_ = 	snop  }
0xdc: {  	[hbm4b:s7+s2] =	stream.indirect_vreg.scatter [tilespmem:s26], [sflag:$0x1], $0x80, v4, vm0, $0xb8;
	[tilespmem:$0x8080] =	vst v63  }
0xdd: {  	_ = 	snop  }
0xde: {  	[hbm4b:s3+s2] =	stream.indirect_vreg.scatter [tilespmem:s28], [sflag:$0x1], $0x80, v3, vm0, $0xb8;
	[tilespmem:$0x8080] =	vst v63  }
0xdf: {  	_ = 	snop  }
0xe0: {  	[hbm4b:s5+s2] =	stream.indirect_vreg.scatter [tilespmem:s29], [sflag:$0x1], $0x80, v3, vm0, $0xb8;
	[tilespmem:$0x8080] =	vst v63  }
0xe1: {  	p0 =	sne.s32 s13, $0x1  }
0xe2: {  	[hbm4b:s6+s2] =	stream.indirect_vreg.scatter [tilespmem:s30], [sflag:$0x1], $0x80, v3, vm0, $0xb8;
	[tilespmem:$0x8080] =	vst v63  }
.Ltmp0:
0xe3: {  	_ = 	snop;
	(pc) =	sbr.rel @p0 .LBB2_1-.Ltmp0, $4  }
0xe4: {  	[hbm4b:s7+s2] =	stream.indirect_vreg.scatter [tilespmem:s31], [sflag:$0x1], $0x80, v3, vm0, $0xb8;
	[tilespmem:$0x8080] =	vst v63  }
0xe5: {  	_ =	swait.ge [sflag:s0], $0x8000  }
0xe6: {  	[sflag:s0] =	ssyncset.done $0x0  }
0xe7: {  	s13 =	sadd.s32 $0xFFFFFFFF, s13;
	[sflag:s0] =	ssyncadd.s32 $0xFFFF8000  }
0xe8: {  	_ =	sfence.sel $0x180000  }
0xe9: {  	[bflag:$0x0] =	sbarrier.arrive $0xFFFF  }
0xea: {  	_ =	strace $0x90000047  }
0xeb: {  	s0 =	stileid.u32;
	[bflag:$0x2] =	sbarrier.arrive $0xFFFF  }
0xec: {  	p0 =	sne.s32 s0, $0x0;
	s0 =	rddreg [dreg:$0x2]  }
0xed: {  	s0 =	sadd.s32 @!p0 $0x100000, s0  }
0xee: {  	[sflag:s0] =	ssyncadd.tile.s32 @!p0 $0x1;
	_ =	shalt  }
.Lfunc_end2:
_tile_overlayer_lowered:
.L_overlay_start_2:
0xef: {  	(tag) =	ssettag $0x2  }
0xf0: {  	s0 =	rddreg [dreg:$0x0];
	s2 =	stileid.u32  }
0xf1: {  	s1 =	rddreg [dreg:$0x1];
	p0 =	sne.s32 s2, $0x0  }
0xf2: {  	s3 =	rddreg [dreg:$0x2];
	[bflag:$0x3] =	sbarrier.arrive $0xFFFF;
	s2 =	simm.s32 @!p0 $0x1C02  }
0xf3: {  	[timem:s3], [sflag:s2] =	dma.local @!p0 [hbm:s0], s1  }
0xf4: {  	s0 =	simm.s32 @!p0 $0x2  }
0xf5: {  	_ =	swait.ge @!p0 [sflag:s0], s1  }
0xf6: {  	s1 =	ssub.s32 @!p0 $0x0, s1;
	[sflag:s0] =	ssyncset.done @!p0 $0x0  }
0xf7: {  	[sflag:s0] =	ssyncadd.s32 @!p0 s1  }
0xf8: {  	[bflag:$0x3] =	sbarrier.arrive $0xFFFF  }
0xf9: {  	_ =	shalt  }

</sc_bundles>
